<compile_context>
chip_gen: v7x
topology: tpu7x:2x2x1
jax: 0.10.2.dev20260603
libtpu: 0.0.44.dev20260713+nightly
codegen_flags: <defaults>
</compile_context>

<pallas_src>
import functools
import math

import jax
import jax.numpy as jnp
from jax import lax
from jax.experimental import pallas as pl
from jax.experimental.pallas import tpu as pltpu
from jax.experimental.pallas import tpu_sc as plsc

F0_BIN = 256
F0_MEL_MIN = 1127.0 * math.log(1.0 + 50.0 / 700.0)
F0_MEL_MAX = 1127.0 * math.log(1.0 + 1100.0 / 700.0)

NP_TAB = 256
NS_PAD = 128
NTAB = NP_TAB + 256 + NS_PAD


@functools.lru_cache(maxsize=None)
def _make_sc_gather(rows_total, H, T_mel, T_ph, NW):
    rpw = rows_total // NW
    NB = 128
    nblk = rpw // NB
    mesh = plsc.VectorSubcoreMesh(core_axis_name="c", subcore_axis_name="s")

    @functools.partial(
        pl.kernel,
        out_type=jax.ShapeDtypeStruct((rows_total, H), jnp.float32),
        mesh=mesh,
        scratch_types=[
            pltpu.VMEM((rpw,), jnp.int32),
            [pltpu.VMEM((NB, H), jnp.float32) for _ in range(2)],
            [pltpu.SemaphoreType.DMA for _ in range(2)],
            [pltpu.SemaphoreType.DMA for _ in range(2)],
        ],
    )
    def sck(m2p_hbm, hub_hbm, out_hbm, gall, hubb, semg, semst):
        wid = lax.axis_index("s") * 2 + lax.axis_index("c")
        base = wid * rpw
        boff = (base // T_mel) * T_ph
        pltpu.sync_copy(m2p_hbm.at[pl.ds(base, rpw)], gall)

        @plsc.parallel_loop(0, rpw // 16, step=1, unroll=4)
        def fix(i):
            sl = pl.ds(i * 16, 16)
            m = gall[sl]
            gall[sl] = jnp.maximum(m - 1, 0) + boff

        def issue(k, s):
            pltpu.async_copy(hub_hbm.at[gall.at[pl.ds(k * NB, NB)]],
                             hubb[s], semg[s])

        def wait_gather(k, s):
            pltpu.make_async_copy(hub_hbm.at[gall.at[pl.ds(k * NB, NB)]],
                                  hubb[s], semg[s]).wait()

        def wait_store(k, s):
            pltpu.make_async_copy(
                hubb[s], out_hbm.at[pl.ds(base + k * NB, NB)], semst[s]).wait()

        issue(0, 0)

        def step(k, carry):
            for u in range(2):
                kk = 2 * k + u
                s = u
                s2 = 1 - u
                wait_gather(kk, s)
                pltpu.async_copy(
                    hubb[s], out_hbm.at[pl.ds(base + kk * NB, NB)], semst[s])

                @pl.when(kk + 1 < nblk)
                def _():
                    @pl.when(kk >= 1)
                    def _():
                        wait_store(kk - 1, s2)
                    issue(kk + 1, s2)
            return carry

        lax.fori_loop(0, nblk // 2, step, 0)
        wait_store(nblk - 2, 0)
        wait_store(nblk - 1, 1)

    return sck


def _combine_body(hubg_ref, m2p_ref, f0_ref, uv_ref, en_ref, spkf_ref,
                  tab_ref, out_ref):
    m = m2p_ref[0, 0]
    f0 = f0_ref[0, 0]
    uv = uv_ref[0, 0]
    en = en_ref[0, 0]
    T = m.shape[0]

    f0d = jnp.exp2(f0)
    f0d = jnp.where(uv > 0, 0.0, f0d)
    f0d = jnp.where(m == 0, 0.0, f0d)
    f0_mel = 1127.0 * jnp.log(1.0 + f0d / 700.0)
    f0_mel = jnp.where(
        f0_mel > 0,
        (f0_mel - F0_MEL_MIN) * (F0_BIN - 2) / (F0_MEL_MAX - F0_MEL_MIN) + 1.0,
        f0_mel)
    f0_mel = jnp.where(f0_mel <= 1.0, 1.0, f0_mel)
    f0_mel = jnp.where(f0_mel > F0_BIN - 1, float(F0_BIN - 1), f0_mel)
    p = (f0_mel + 0.5).astype(jnp.int32)
    e = jnp.minimum(jnp.floor(en * (256.0 / 4.0)), 255.0).astype(jnp.int32)

    ioto = lax.broadcasted_iota(jnp.int32, (T, NTAB), 1)
    s = spkf_ref[0, 0, 0].astype(jnp.int32) + (NP_TAB + 256)
    onehot = ((ioto == p[:, None]) | (ioto == (e + NP_TAB)[:, None])
              | (ioto == s)).astype(jnp.float32)
    emb = jnp.dot(onehot, tab_ref[...], preferred_element_type=jnp.float32)

    mask = (m > 0).astype(jnp.float32)[:, None]
    out_ref[0] = (hubg_ref[0] + emb) * mask


def _combine(hubg, mel2ph, f0, uv, energy, spkf, tab, TBLK=4096):
    B, T_mel, H = hubg.shape
    nt = T_mel // TBLK
    grid = (B, nt)
    rows3 = lambda x: x.reshape(B * nt, 1, TBLK)
    row_spec = pl.BlockSpec((1, 1, TBLK), lambda b, t: (b * nt + t, 0, 0))
    return pl.pallas_call(
        _combine_body,
        grid=grid,
        in_specs=[
            pl.BlockSpec((1, TBLK, H), lambda b, t: (b, t, 0)),
            row_spec, row_spec, row_spec, row_spec,
            pl.BlockSpec((1, 1, 1), lambda b, t: (b, 0, 0)),
            pl.BlockSpec((NTAB, H), lambda b, t: (0, 0)),
        ],
        out_specs=pl.BlockSpec((1, TBLK, H), lambda b, t: (b, t, 0)),
        out_shape=jax.ShapeDtypeStruct((B, T_mel, H), jnp.float32),
    )(hubg, rows3(mel2ph), rows3(f0), rows3(uv), rows3(energy),
      spkf.reshape(B, 1, 1), tab)


def kernel(hubert, mel2ph, spk_embed, f0, uv, energy, W_spk, W_pitch, W_energy):
    B, T_ph, H = hubert.shape
    T_mel = mel2ph.shape[1]
    rows_total = B * T_mel
    hub2d = hubert.reshape(B * T_ph, H)

    sck = _make_sc_gather(rows_total, H, T_mel, T_ph, 32)
    hubg = sck(mel2ph.reshape(-1), hub2d).reshape(B, T_mel, H)

    ws_pad = jnp.pad(W_spk, ((0, NS_PAD - W_spk.shape[0]), (0, 0)))
    tab = jnp.concatenate([W_pitch[:NP_TAB], W_energy, ws_pad], axis=0)
    spkf = spk_embed.astype(jnp.float32).reshape(B, 1)
    return _combine(hubg, mel2ph, f0, uv, energy, spkf, tab)

# --- scband reference (transcript-rebuilt; emitter-appended) ---
"""Pipeline reference for scband-svc-encoder-75445395522197 (READ-ONLY COPY).

The authoritative reference and input builder live on the scoring server;
editing this copy changes nothing except your own understanding.
"""

import jax, jax.numpy as jnp
import numpy as np

# hparams assumed: hidden_size=256, use_pitch_embed=True, use_energy_embed=True,
# use_spk_id=True (num_spk=100), use_split_spk_id=False, use_spk_embed=False,
# pitch_norm='log', use_uv=True, predictor_grad=0.1 (dead code in this forward)

F0_BIN = 256
F0_MEL_MIN = 1127.0 * np.log(1.0 + 50.0 / 700.0)
F0_MEL_MAX = 1127.0 * np.log(1.0 + 1100.0 / 700.0)


def _denorm_f0(f0, uv, pitch_padding):
    # pitch_norm == 'log'
    f0 = 2.0 ** f0
    f0 = jnp.where(uv > 0, 0.0, f0)  # use_uv
    f0 = jnp.where(pitch_padding, 0.0, f0)
    return f0


def _f0_to_coarse(f0):
    f0_mel = 1127.0 * jnp.log(1.0 + f0 / 700.0)
    f0_mel = jnp.where(f0_mel > 0,
                       (f0_mel - F0_MEL_MIN) * (F0_BIN - 2) / (F0_MEL_MAX - F0_MEL_MIN) + 1.0,
                       f0_mel)
    f0_mel = jnp.where(f0_mel <= 1.0, 1.0, f0_mel)
    f0_mel = jnp.where(f0_mel > F0_BIN - 1, float(F0_BIN - 1), f0_mel)
    return (f0_mel + 0.5).astype(jnp.int32)


def _forward(hubert, f0, uv, energy, W_spk, W_pitch, W_energy, mel2ph, spk_id):
    B, T_ph, H = hubert.shape
    encoder_out = hubert
    src_nonpadding = jnp.any(hubert != 0, axis=-1)[:, :, None]  # computed as in torch (unused downstream here)
    # use_spk_id branch
    spk_embed_0 = jnp.take(W_spk, spk_id, axis=0)[:, None, :]
    zero_id = jnp.zeros((1,), dtype=jnp.int32)
    spk_embed_1 = jnp.take(W_spk, zero_id, axis=0)[:, None, :]
    spk_embed_2 = jnp.take(W_spk, zero_id, axis=0)[:, None, :]
    spk_embed = 1.0 * spk_embed_0 + 0.0 * spk_embed_1 + 0.0 * spk_embed_2
    spk_embed_f0 = spk_embed
    # expand encoder output to mel frames via mel2ph gather (F.pad + torch.gather)
    decoder_inp = jnp.pad(encoder_out, ((0, 0), (1, 0), (0, 0)))
    mel2ph_ = jnp.broadcast_to(mel2ph[..., None], mel2ph.shape + (H,))
    decoder_inp_origin = jnp.take_along_axis(decoder_inp, mel2ph_, axis=1)
    decoder_inp = decoder_inp_origin
    tgt_nonpadding = (mel2ph > 0).astype(jnp.float32)[:, :, None]
    pitch_inp = (decoder_inp_origin + 0.0 + spk_embed_f0) * tgt_nonpadding  # as in torch
    # add_pitch
    pitch_padding = mel2ph == 0
    f0_denorm = _denorm_f0(f0, uv, pitch_padding)
    pitch = jax.lax.stop_gradient(_f0_to_coarse(f0_denorm))  # .long() is non-differentiable
    pitch_embedding = jnp.take(W_pitch, pitch, axis=0)
    decoder_inp = decoder_inp + pitch_embedding
    # add_energy: torch.clamp(energy * 256 // 4, max=255).long()
    e_idx = jax.lax.stop_gradient(
        jnp.minimum(jnp.floor(energy * 256.0 / 4.0), 255.0).astype(jnp.int32))
    energy_embedding = jnp.take(W_energy, e_idx, axis=0)
    decoder_inp = decoder_inp + energy_embedding
    decoder_inp = (decoder_inp + spk_embed) * tgt_nonpadding
    return decoder_inp


def setup_inputs(seed: int = 0) -> dict:
    key = jax.random.key(seed)
    ks = jax.random.split(key, 8)
    B, T_ph, T_mel, H = 16, 2048, 4096, 256
    NUM_SPK = 100
    hubert = jax.random.normal(ks[0], (B, T_ph, H), dtype=jnp.float32)
    mel2ph = jax.random.randint(ks[1], (B, T_mel), 0, T_ph, dtype=jnp.int32)
    spk_embed = jax.random.randint(ks[2], (B,), 0, NUM_SPK, dtype=jnp.int32)
    f0 = jax.random.normal(ks[3], (B, T_mel), dtype=jnp.float32)
    uv = jnp.zeros((B, T_mel), dtype=jnp.float32)
    energy = jax.random.uniform(ks[4], (B, T_mel), dtype=jnp.float32)
    W_spk = jax.random.normal(ks[5], (NUM_SPK, H), dtype=jnp.float32) * 0.02
    W_pitch = (jax.random.normal(ks[6], (300, H), dtype=jnp.float32) * 0.02).at[0].set(0.0)  # padding_idx=0
    W_energy = (jax.random.normal(ks[7], (256, H), dtype=jnp.float32) * 0.02).at[0].set(0.0)  # padding_idx=0
    return {"hubert": hubert, "mel2ph": mel2ph, "spk_embed": spk_embed, "f0": f0,
            "uv": uv, "energy": energy, "W_spk": W_spk, "W_pitch": W_pitch, "W_energy": W_energy}


def reference(hubert, mel2ph, spk_embed, f0, uv, energy, W_spk, W_pitch, W_energy):
    return _forward(hubert, f0, uv, energy, W_spk, W_pitch, W_energy, mel2ph, spk_embed)

if __name__ == "__main__":
    import jax
    _d = setup_inputs()
    print(jax.jit(kernel)(*tuple(_d.values())))

</pallas_src>

<mosaic_0001>
#map = affine_map<(d0, d1) -> (0)>
#map1 = affine_map<(d0, d1) -> (0, 0)>
module attributes {stable_mosaic.version = 14 : i64} {
  func.func @sck(%arg0: i32, %arg1: i32, %arg2: memref<65536xi32, #tpu.memory_space<hbm>>, %arg3: memref<32768x256xf32, #tpu.memory_space<hbm>>, %arg4: memref<65536x256xf32, #tpu.memory_space<hbm>>, %arg5: memref<2048xi32, #tpu.memory_space<vmem>>, %arg6: memref<128x256xf32, #tpu.memory_space<vmem>>, %arg7: memref<128x256xf32, #tpu.memory_space<vmem>>, %arg8: memref<!tpu.dma_semaphore, #tpu.memory_space<semaphore_mem>>, %arg9: memref<!tpu.dma_semaphore, #tpu.memory_space<semaphore_mem>>, %arg10: memref<!tpu.dma_semaphore, #tpu.memory_space<semaphore_mem>>, %arg11: memref<!tpu.dma_semaphore, #tpu.memory_space<semaphore_mem>>) attributes {dimension_semantics = [#tpu.dimension_semantics<core_parallel>, #tpu.dimension_semantics<subcore_parallel>], iteration_bounds = array<i64: 2, 16>, scalar_prefetch = 0 : i64, scratch_operands = 7 : i64, tpu.core_type = #tpu.core_type<sc_vector_subcore>, window_params = [{transform_indices = #map}, {transform_indices = #map1}, {transform_indices = #map1}]} {
    %mul3A = arith.constant 2 : i32
    %mul3A_0 = arith.muli %arg1, %mul3A : i32
    %add3A = arith.addi %mul3A_0, %arg0 : i32
    %mul3A_1 = arith.constant 2048 : i32
    %mul3A_2 = arith.muli %add3A, %mul3A_1 : i32
    %jit3A = arith.constant 4096 : i32
    %div3A = arith.divsi %mul3A_2, %jit3A : i32
    %sign3A = arith.constant 0 : i32
    %sign3A_3 = arith.cmpi sgt, %mul3A_2, %sign3A : i32
    %sign3A_4 = arith.extui %sign3A_3 : i1 to i32
    %sign3A_5 = arith.constant 0 : i32
    %sign3A_6 = arith.cmpi slt, %mul3A_2, %sign3A_5 : i32
    %sign3A_7 = arith.extui %sign3A_6 : i1 to i32
    %sign3A_8 = arith.subi %sign3A_4, %sign3A_7 : i32
    %sign3A_9 = arith.constant 0 : i32
    %sign3A_10 = arith.cmpi sgt, %jit3A, %sign3A_9 : i32
    %sign3A_11 = arith.extui %sign3A_10 : i1 to i32
    %sign3A_12 = arith.constant 0 : i32
    %sign3A_13 = arith.cmpi slt, %jit3A, %sign3A_12 : i32
    %sign3A_14 = arith.extui %sign3A_13 : i1 to i32
    %sign3A_15 = arith.subi %sign3A_11, %sign3A_14 : i32
    %ne3A = arith.cmpi ne, %sign3A_8, %sign3A_15 : i32
    %rem3A = arith.remsi %mul3A_2, %jit3A : i32
    %ne3A_16 = arith.constant 0 : i32
    %ne3A_17 = arith.cmpi ne, %rem3A, %ne3A_16 : i32
    %and3A = arith.andi %ne3A, %ne3A_17 : i1
    %sub3A = arith.constant 1 : i32
    %sub3A_18 = arith.subi %div3A, %sub3A : i32
    %select_n3A = arith.select %and3A, %sub3A_18, %div3A : i32
    %mul3A_19 = arith.constant 2048 : i32
    %mul3A_20 = arith.muli %select_n3A, %mul3A_19 : i32
    "tpu.region"() ({
      %run_scoped3A = tpu.sem_alloc : memref<!tpu.dma_semaphore, #tpu.memory_space<semaphore_mem>>
      %dma_start3A_43 = tpu.memref_slice %arg2[%mul3A_2] : memref<65536xi32, #tpu.memory_space<hbm>> -> memref<2048xi32, #tpu.memory_space<hbm>>
      %dma_start3A_44 = tpu.memref_slice %arg2[%mul3A_2] : memref<65536xi32, #tpu.memory_space<hbm>> -> memref<2048xi32, #tpu.memory_space<hbm>>
      tpu.enqueue_dma source(%dma_start3A_44 : memref<2048xi32, #tpu.memory_space<hbm>>) target(%arg5 : memref<2048xi32, #tpu.memory_space<vmem>>) target_semaphore(%run_scoped3A : memref<!tpu.dma_semaphore, #tpu.memory_space<semaphore_mem>>)
      %dma_wait3A_45 = tpu.memref_slice %arg2[%mul3A_2] : memref<65536xi32, #tpu.memory_space<hbm>> -> memref<2048xi32, #tpu.memory_space<hbm>>
      %dma_wait3A_46 = tpu.memref_slice %arg2[%mul3A_2] : memref<65536xi32, #tpu.memory_space<hbm>> -> memref<2048xi32, #tpu.memory_space<hbm>>
      tpu.wait_dma2 semaphore(%run_scoped3A : memref<!tpu.dma_semaphore, #tpu.memory_space<semaphore_mem>>) src(%dma_wait3A_46 : memref<2048xi32, #tpu.memory_space<hbm>>) dst(%arg5 : memref<2048xi32, #tpu.memory_space<vmem>>)
      tpu.yield
    }) : () -> ()
    %parallel_loop3A = arith.constant 0 : i32
    %parallel_loop3A_21 = arith.constant 128 : i32
    %parallel_loop3A_22 = arith.constant 1 : i32
    scf.for %parallel_loop3A_43 = %parallel_loop3A to %parallel_loop3A_21 step %parallel_loop3A_22  : i32 {
      %parallel_loop3A_44 = arith.constant 16 : i32
      %parallel_loop3A_45 = arith.muli %parallel_loop3A_43, %parallel_loop3A_44 : i32
      %parallel_loop3A_46 = arith.index_cast %parallel_loop3A_45 : i32 to index
      %parallel_loop3A_47 = tpu.vector_load %arg5[%parallel_loop3A_46] {strides = array<i32>} : memref<2048xi32, #tpu.memory_space<vmem>>, vector<16xi32>,
      %parallel_loop3A_48 = vector.shape_cast %parallel_loop3A_47 : vector<16xi32> to vector<16xi32>
      %parallel_loop3A_49 = arith.constant 1 : i32
      %parallel_loop3A_50 = vector.broadcast %parallel_loop3A_49 : i32 to vector<16xi32>
      %parallel_loop3A_51 = arith.subi %parallel_loop3A_48, %parallel_loop3A_50 : vector<16xi32>
      %parallel_loop3A_52 = arith.constant 0 : i32
      %parallel_loop3A_53 = vector.broadcast %parallel_loop3A_52 : i32 to vector<16xi32>
      %parallel_loop3A_54 = arith.maxsi %parallel_loop3A_51, %parallel_loop3A_53 : vector<16xi32>
      %parallel_loop3A_55 = vector.broadcast %mul3A_20 : i32 to vector<16xi32>
      %parallel_loop3A_56 = arith.addi %parallel_loop3A_54, %parallel_loop3A_55 : vector<16xi32>
      %parallel_loop3A_57 = arith.index_cast %parallel_loop3A_45 : i32 to index
      %parallel_loop3A_58 = tpu.vector_load %arg5[%parallel_loop3A_57] {strides = array<i32>} : memref<2048xi32, #tpu.memory_space<vmem>>, vector<16xi32>,
      %parallel_loop3A_59 = vector.shape_cast %parallel_loop3A_58 : vector<16xi32> to vector<16xi32>
      %parallel_loop3A_60 = vector.shape_cast %parallel_loop3A_56 : vector<16xi32> to vector<16xi32>
      tpu.vector_store %arg5[%parallel_loop3A_57], %parallel_loop3A_60 {strides = array<i32>} : memref<2048xi32, #tpu.memory_space<vmem>>, vector<16xi32>,
    } {sc.loop_unroll_factor = 4 : i64, sc.parallel_access}
    %dma_start3A = arith.constant 0 : i32
    %dma_start3A_23 = tpu.memref_slice %arg5[%dma_start3A] : memref<2048xi32, #tpu.memory_space<vmem>> -> memref<128xi32, #tpu.memory_space<vmem>>
    %dma_start3A_24 = arith.constant 0 : i32
    %dma_start3A_25 = arith.constant 0 : i32
    %dma_start3A_26 = tpu.memref_slice %arg3[%dma_start3A_24, %dma_start3A_25] : memref<32768x256xf32, #tpu.memory_space<hbm>> -> memref<32768x256xf32, #tpu.memory_space<hbm>>
    tpu.enqueue_indirect_dma source(%dma_start3A_26 : memref<32768x256xf32, #tpu.memory_space<hbm>>) target(%arg6 : memref<128x256xf32, #tpu.memory_space<vmem>>) offsets(%dma_start3A_23 : memref<128xi32, #tpu.memory_space<vmem>>) semaphore(%arg8 : memref<!tpu.dma_semaphore, #tpu.memory_space<semaphore_mem>>)
    %scan3A = arith.constant 0 : i32
    %scan3A_27 = arith.constant 0 : i32
    %scan3A_28 = arith.constant 8 : i32
    %scan3A_29 = arith.addi %scan3A_27, %scan3A_28 : i32
    %scan3A_30 = arith.constant 1 : i32
    scf.for %scan3A_43 = %scan3A_27 to %scan3A_29 step %scan3A_30  : i32 {
      %mul3A_44 = arith.constant 2 : i32
      %mul3A_45 = arith.muli %mul3A_44, %scan3A_43 : i32
      %add3A_46 = arith.constant 0 : i32
      %add3A_47 = arith.addi %mul3A_45, %add3A_46 : i32
      %mul3A_48 = arith.constant 128 : i32
      %mul3A_49 = arith.muli %add3A_47, %mul3A_48 : i32
      %dma_wait3A_50 = tpu.memref_slice %arg5[%mul3A_49] : memref<2048xi32, #tpu.memory_space<vmem>> -> memref<128xi32, #tpu.memory_space<vmem>>
      %dma_wait3A_51 = arith.constant 0 : i32
      %dma_wait3A_52 = arith.constant 0 : i32
      %dma_wait3A_53 = tpu.memref_slice %arg3[%dma_wait3A_51, %dma_wait3A_52] : memref<32768x256xf32, #tpu.memory_space<hbm>> -> memref<32768x256xf32, #tpu.memory_space<hbm>>
      tpu.wait_indirect_dma semaphore(%arg8 : memref<!tpu.dma_semaphore, #tpu.memory_space<semaphore_mem>>) src(%dma_wait3A_53 : memref<32768x256xf32, #tpu.memory_space<hbm>>) dst(%arg6 : memref<128x256xf32, #tpu.memory_space<vmem>>)
      %mul3A_54 = arith.constant 128 : i32
      %mul3A_55 = arith.muli %add3A_47, %mul3A_54 : i32
      %add3A_56 = arith.addi %mul3A_2, %mul3A_55 : i32
      %dma_start3A_57 = arith.constant 0 : i32
      %dma_start3A_58 = tpu.memref_slice %arg4[%add3A_56, %dma_start3A_57] : memref<65536x256xf32, #tpu.memory_space<hbm>> -> memref<128x256xf32, #tpu.memory_space<hbm>>
      %dma_start3A_59 = arith.constant 0 : i32
      %dma_start3A_60 = tpu.memref_slice %arg4[%add3A_56, %dma_start3A_59] : memref<65536x256xf32, #tpu.memory_space<hbm>> -> memref<128x256xf32, #tpu.memory_space<hbm>>
      tpu.enqueue_dma source(%arg6 : memref<128x256xf32, #tpu.memory_space<vmem>>) target(%dma_start3A_60 : memref<128x256xf32, #tpu.memory_space<hbm>>) target_semaphore(%arg10 : memref<!tpu.dma_semaphore, #tpu.memory_space<semaphore_mem>>)
      %add3A_61 = arith.constant 1 : i32
      %add3A_62 = arith.addi %add3A_47, %add3A_61 : i32
      %lt3A = arith.constant 16 : i32
      %lt3A_63 = arith.cmpi slt, %add3A_62, %lt3A : i32
      %convert_element_type3A = arith.extui %lt3A_63 : i1 to i32
      %cond3A = arith.constant 0 : i32
      %cond3A_64 = arith.cmpi ne, %convert_element_type3A, %cond3A : i32
      scf.if %cond3A_64 {
        %ge3A = arith.constant 1 : i32
        %ge3A_89 = arith.cmpi sge, %add3A_47, %ge3A : i32
        %convert_element_type3A_90 = arith.extui %ge3A_89 : i1 to i32
        %cond3A_91 = arith.constant 0 : i32
        %cond3A_92 = arith.cmpi ne, %convert_element_type3A_90, %cond3A_91 : i32
        scf.if %cond3A_92 {
          %sub3A_101 = arith.constant 1 : i32
          %sub3A_102 = arith.subi %add3A_47, %sub3A_101 : i32
          %mul3A_103 = arith.constant 128 : i32
          %mul3A_104 = arith.muli %sub3A_102, %mul3A_103 : i32
          %add3A_105 = arith.addi %mul3A_2, %mul3A_104 : i32
          %dma_wait3A_106 = arith.constant 0 : i32
          %dma_wait3A_107 = tpu.memref_slice %arg4[%add3A_105, %dma_wait3A_106] : memref<65536x256xf32, #tpu.memory_space<hbm>> -> memref<128x256xf32, #tpu.memory_space<hbm>>
          %dma_wait3A_108 = arith.constant 0 : i32
          %dma_wait3A_109 = tpu.memref_slice %arg4[%add3A_105, %dma_wait3A_108] : memref<65536x256xf32, #tpu.memory_space<hbm>> -> memref<128x256xf32, #tpu.memory_space<hbm>>
          tpu.wait_dma2 semaphore(%arg11 : memref<!tpu.dma_semaphore, #tpu.memory_space<semaphore_mem>>) src(%arg7 : memref<128x256xf32, #tpu.memory_space<vmem>>) dst(%dma_wait3A_109 : memref<128x256xf32, #tpu.memory_space<hbm>>)
        } else {
        }
        %add3A_93 = arith.constant 1 : i32
        %add3A_94 = arith.addi %add3A_47, %add3A_93 : i32
        %mul3A_95 = arith.constant 128 : i32
        %mul3A_96 = arith.muli %add3A_94, %mul3A_95 : i32
        %dma_start3A_97 = tpu.memref_slice %arg5[%mul3A_96] : memref<2048xi32, #tpu.memory_space<vmem>> -> memref<128xi32, #tpu.memory_space<vmem>>
        %dma_start3A_98 = arith.constant 0 : i32
        %dma_start3A_99 = arith.constant 0 : i32
        %dma_start3A_100 = tpu.memref_slice %arg3[%dma_start3A_98, %dma_start3A_99] : memref<32768x256xf32, #tpu.memory_space<hbm>> -> memref<32768x256xf32, #tpu.memory_space<hbm>>
        tpu.enqueue_indirect_dma source(%dma_start3A_100 : memref<32768x256xf32, #tpu.memory_space<hbm>>) target(%arg7 : memref<128x256xf32, #tpu.memory_space<vmem>>) offsets(%dma_start3A_97 : memref<128xi32, #tpu.memory_space<vmem>>) semaphore(%arg9 : memref<!tpu.dma_semaphore, #tpu.memory_space<semaphore_mem>>)
      } else {
      }
      %mul3A_65 = arith.constant 2 : i32
      %mul3A_66 = arith.muli %mul3A_65, %scan3A_43 : i32
      %add3A_67 = arith.constant 1 : i32
      %add3A_68 = arith.addi %mul3A_66, %add3A_67 : i32
      %mul3A_69 = arith.constant 128 : i32
      %mul3A_70 = arith.muli %add3A_68, %mul3A_69 : i32
      %dma_wait3A_71 = tpu.memref_slice %arg5[%mul3A_70] : memref<2048xi32, #tpu.memory_space<vmem>> -> memref<128xi32, #tpu.memory_space<vmem>>
      %dma_wait3A_72 = arith.constant 0 : i32
      %dma_wait3A_73 = arith.constant 0 : i32
      %dma_wait3A_74 = tpu.memref_slice %arg3[%dma_wait3A_72, %dma_wait3A_73] : memref<32768x256xf32, #tpu.memory_space<hbm>> -> memref<32768x256xf32, #tpu.memory_space<hbm>>
      tpu.wait_indirect_dma semaphore(%arg9 : memref<!tpu.dma_semaphore, #tpu.memory_space<semaphore_mem>>) src(%dma_wait3A_74 : memref<32768x256xf32, #tpu.memory_space<hbm>>) dst(%arg7 : memref<128x256xf32, #tpu.memory_space<vmem>>)
      %mul3A_75 = arith.constant 128 : i32
      %mul3A_76 = arith.muli %add3A_68, %mul3A_75 : i32
      %add3A_77 = arith.addi %mul3A_2, %mul3A_76 : i32
      %dma_start3A_78 = arith.constant 0 : i32
      %dma_start3A_79 = tpu.memref_slice %arg4[%add3A_77, %dma_start3A_78] : memref<65536x256xf32, #tpu.memory_space<hbm>> -> memref<128x256xf32, #tpu.memory_space<hbm>>
      %dma_start3A_80 = arith.constant 0 : i32
      %dma_start3A_81 = tpu.memref_slice %arg4[%add3A_77, %dma_start3A_80] : memref<65536x256xf32, #tpu.memory_space<hbm>> -> memref<128x256xf32, #tpu.memory_space<hbm>>
      tpu.enqueue_dma source(%arg7 : memref<128x256xf32, #tpu.memory_space<vmem>>) target(%dma_start3A_81 : memref<128x256xf32, #tpu.memory_space<hbm>>) target_semaphore(%arg11 : memref<!tpu.dma_semaphore, #tpu.memory_space<semaphore_mem>>)
      %add3A_82 = arith.constant 1 : i32
      %add3A_83 = arith.addi %add3A_68, %add3A_82 : i32
      %lt3A_84 = arith.constant 16 : i32
      %lt3A_85 = arith.cmpi slt, %add3A_83, %lt3A_84 : i32
      %convert_element_type3A_86 = arith.extui %lt3A_85 : i1 to i32
      %cond3A_87 = arith.constant 0 : i32
      %cond3A_88 = arith.cmpi ne, %convert_element_type3A_86, %cond3A_87 : i32
      scf.if %cond3A_88 {
        %ge3A = arith.constant 1 : i32
        %ge3A_89 = arith.cmpi sge, %add3A_68, %ge3A : i32
        %convert_element_type3A_90 = arith.extui %ge3A_89 : i1 to i32
        %cond3A_91 = arith.constant 0 : i32
        %cond3A_92 = arith.cmpi ne, %convert_element_type3A_90, %cond3A_91 : i32
        scf.if %cond3A_92 {
          %sub3A_101 = arith.constant 1 : i32
          %sub3A_102 = arith.subi %add3A_68, %sub3A_101 : i32
          %mul3A_103 = arith.constant 128 : i32
          %mul3A_104 = arith.muli %sub3A_102, %mul3A_103 : i32
          %add3A_105 = arith.addi %mul3A_2, %mul3A_104 : i32
          %dma_wait3A_106 = arith.constant 0 : i32
          %dma_wait3A_107 = tpu.memref_slice %arg4[%add3A_105, %dma_wait3A_106] : memref<65536x256xf32, #tpu.memory_space<hbm>> -> memref<128x256xf32, #tpu.memory_space<hbm>>
          %dma_wait3A_108 = arith.constant 0 : i32
          %dma_wait3A_109 = tpu.memref_slice %arg4[%add3A_105, %dma_wait3A_108] : memref<65536x256xf32, #tpu.memory_space<hbm>> -> memref<128x256xf32, #tpu.memory_space<hbm>>
          tpu.wait_dma2 semaphore(%arg10 : memref<!tpu.dma_semaphore, #tpu.memory_space<semaphore_mem>>) src(%arg6 : memref<128x256xf32, #tpu.memory_space<vmem>>) dst(%dma_wait3A_109 : memref<128x256xf32, #tpu.memory_space<hbm>>)
        } else {
        }
        %add3A_93 = arith.constant 1 : i32
        %add3A_94 = arith.addi %add3A_68, %add3A_93 : i32
        %mul3A_95 = arith.constant 128 : i32
        %mul3A_96 = arith.muli %add3A_94, %mul3A_95 : i32
        %dma_start3A_97 = tpu.memref_slice %arg5[%mul3A_96] : memref<2048xi32, #tpu.memory_space<vmem>> -> memref<128xi32, #tpu.memory_space<vmem>>
        %dma_start3A_98 = arith.constant 0 : i32
        %dma_start3A_99 = arith.constant 0 : i32
        %dma_start3A_100 = tpu.memref_slice %arg3[%dma_start3A_98, %dma_start3A_99] : memref<32768x256xf32, #tpu.memory_space<hbm>> -> memref<32768x256xf32, #tpu.memory_space<hbm>>
        tpu.enqueue_indirect_dma source(%dma_start3A_100 : memref<32768x256xf32, #tpu.memory_space<hbm>>) target(%arg6 : memref<128x256xf32, #tpu.memory_space<vmem>>) offsets(%dma_start3A_97 : memref<128xi32, #tpu.memory_space<vmem>>) semaphore(%arg8 : memref<!tpu.dma_semaphore, #tpu.memory_space<semaphore_mem>>)
      } else {
      }
    }
    %scan3A_31 = arith.constant 8 : i32
    %add3A_32 = arith.constant 1792 : i32
    %add3A_33 = arith.addi %mul3A_2, %add3A_32 : i32
    %dma_wait3A = arith.constant 0 : i32
    %dma_wait3A_34 = tpu.memref_slice %arg4[%add3A_33, %dma_wait3A] : memref<65536x256xf32, #tpu.memory_space<hbm>> -> memref<128x256xf32, #tpu.memory_space<hbm>>
    %dma_wait3A_35 = arith.constant 0 : i32
    %dma_wait3A_36 = tpu.memref_slice %arg4[%add3A_33, %dma_wait3A_35] : memref<65536x256xf32, #tpu.memory_space<hbm>> -> memref<128x256xf32, #tpu.memory_space<hbm>>
    tpu.wait_dma2 semaphore(%arg10 : memref<!tpu.dma_semaphore, #tpu.memory_space<semaphore_mem>>) src(%arg6 : memref<128x256xf32, #tpu.memory_space<vmem>>) dst(%dma_wait3A_36 : memref<128x256xf32, #tpu.memory_space<hbm>>)
    %add3A_37 = arith.constant 1920 : i32
    %add3A_38 = arith.addi %mul3A_2, %add3A_37 : i32
    %dma_wait3A_39 = arith.constant 0 : i32
    %dma_wait3A_40 = tpu.memref_slice %arg4[%add3A_38, %dma_wait3A_39] : memref<65536x256xf32, #tpu.memory_space<hbm>> -> memref<128x256xf32, #tpu.memory_space<hbm>>
    %dma_wait3A_41 = arith.constant 0 : i32
    %dma_wait3A_42 = tpu.memref_slice %arg4[%add3A_38, %dma_wait3A_41] : memref<65536x256xf32, #tpu.memory_space<hbm>> -> memref<128x256xf32, #tpu.memory_space<hbm>>
    tpu.wait_dma2 semaphore(%arg11 : memref<!tpu.dma_semaphore, #tpu.memory_space<semaphore_mem>>) src(%arg7 : memref<128x256xf32, #tpu.memory_space<vmem>>) dst(%dma_wait3A_42 : memref<128x256xf32, #tpu.memory_space<hbm>>)
    return
  }
}

module attributes {stable_mosaic.version = 14 : i64} {
  func.func @_combine_body(%arg0: i32, %arg1: i32, %arg2: memref<1x4096x256xf32, #tpu.memory_space<vmem>>, %arg3: memref<1x1x4096xi32, #tpu.memory_space<vmem>>, %arg4: memref<1x1x4096xf32, #tpu.memory_space<vmem>>, %arg5: memref<1x1x4096xf32, #tpu.memory_space<vmem>>, %arg6: memref<1x1x4096xf32, #tpu.memory_space<vmem>>, %arg7: memref<1x1x1xf32, #tpu.memory_space<vmem>>, %arg8: memref<640x256xf32, #tpu.memory_space<vmem>>, %arg9: memref<1x4096x256xf32, #tpu.memory_space<vmem>>) attributes {dimension_semantics = [#tpu.dimension_semantics<arbitrary>, #tpu.dimension_semantics<arbitrary>], iteration_bounds = array<i64: 16, 1>, scalar_prefetch = 0 : i64, scratch_operands = 0 : i64, tpu.core_type = #tpu.core_type<tc>, window_params = [{transform_indices = @transform_0, window_bounds = array<i64: 1, 4096, 256>}, {transform_indices = @transform_1, window_bounds = array<i64: 1, 1, 4096>}, {transform_indices = @transform_2, window_bounds = array<i64: 1, 1, 4096>}, {transform_indices = @transform_3, window_bounds = array<i64: 1, 1, 4096>}, {transform_indices = @transform_4, window_bounds = array<i64: 1, 1, 4096>}, {transform_indices = @transform_5, window_bounds = array<i64: 1, 1, 1>}, {pipeline_mode = #tpu.pipeline_mode<synchronous>, transform_indices = @transform_6, window_bounds = array<i64: 640, 256>}, {transform_indices = @transform_7, window_bounds = array<i64: 1, 4096, 256>}]} {
    %get3A = arith.constant 0 : index
    %get3A_0 = arith.constant 0 : index
    %get3A_1 = arith.constant 0 : index
    %get3A_2 = vector.load %arg3[%get3A, %get3A_0, %get3A_1] : memref<1x1x4096xi32, #tpu.memory_space<vmem>>, vector<1x1x4096xi32>
    %get3A_3 = vector.shape_cast %get3A_2 : vector<1x1x4096xi32> to vector<4096xi32>
    %get3A_4 = arith.constant 0 : index
    %get3A_5 = arith.constant 0 : index
    %get3A_6 = arith.constant 0 : index
    %get3A_7 = vector.load %arg4[%get3A_4, %get3A_5, %get3A_6] : memref<1x1x4096xf32, #tpu.memory_space<vmem>>, vector<1x1x4096xf32>
    %get3A_8 = vector.shape_cast %get3A_7 : vector<1x1x4096xf32> to vector<4096xf32>
    %get3A_9 = arith.constant 0 : index
    %get3A_10 = arith.constant 0 : index
    %get3A_11 = arith.constant 0 : index
    %get3A_12 = vector.load %arg5[%get3A_9, %get3A_10, %get3A_11] : memref<1x1x4096xf32, #tpu.memory_space<vmem>>, vector<1x1x4096xf32>
    %get3A_13 = vector.shape_cast %get3A_12 : vector<1x1x4096xf32> to vector<4096xf32>
    %get3A_14 = arith.constant 0 : index
    %get3A_15 = arith.constant 0 : index
    %get3A_16 = arith.constant 0 : index
    %get3A_17 = vector.load %arg6[%get3A_14, %get3A_15, %get3A_16] : memref<1x1x4096xf32, #tpu.memory_space<vmem>>, vector<1x1x4096xf32>
    %get3A_18 = vector.shape_cast %get3A_17 : vector<1x1x4096xf32> to vector<4096xf32>
    %exp23A = math.exp2 %get3A_8 : vector<4096xf32>
    %gt3A = arith.constant 0.000000e+00 : f32
    %gt3A_19 = vector.broadcast %gt3A : f32 to vector<4096xf32>
    %gt3A_20 = arith.cmpf ogt, %get3A_13, %gt3A_19 : vector<4096xf32>
    %jit3A = arith.constant 0.000000e+00 : f32
    %broadcast_in_dim3A = vector.broadcast %jit3A : f32 to vector<4096xf32>
    %select_n3A = arith.select %gt3A_20, %broadcast_in_dim3A, %exp23A : vector<4096xi1>, vector<4096xf32>
    %eq3A = arith.constant 0 : i32
    %eq3A_21 = vector.broadcast %eq3A : i32 to vector<4096xi32>
    %eq3A_22 = arith.cmpi eq, %get3A_3, %eq3A_21 : vector<4096xi32>
    %jit3A_23 = arith.constant 0.000000e+00 : f32
    %broadcast_in_dim3A_24 = vector.broadcast %jit3A_23 : f32 to vector<4096xf32>
    %select_n3A_25 = arith.select %eq3A_22, %broadcast_in_dim3A_24, %select_n3A : vector<4096xi1>, vector<4096xf32>
    %div3A = arith.constant 7.000000e+02 : f32
    %div3A_26 = vector.broadcast %div3A : f32 to vector<4096xf32>
    %div3A_27 = arith.divf %select_n3A_25, %div3A_26 : vector<4096xf32>
    %add3A = arith.constant 1.000000e+00 : f32
    %add3A_28 = vector.broadcast %add3A : f32 to vector<4096xf32>
    %add3A_29 = arith.addf %add3A_28, %div3A_27 : vector<4096xf32>
    %log3A = math.log %add3A_29 : vector<4096xf32>
    %mul3A = arith.constant 1.127000e+03 : f32
    %mul3A_30 = vector.broadcast %mul3A : f32 to vector<4096xf32>
    %mul3A_31 = arith.mulf %mul3A_30, %log3A : vector<4096xf32>
    %gt3A_32 = arith.constant 0.000000e+00 : f32
    %gt3A_33 = vector.broadcast %gt3A_32 : f32 to vector<4096xf32>
    %gt3A_34 = arith.cmpf ogt, %mul3A_31, %gt3A_33 : vector<4096xf32>
    %sub3A = arith.constant 77.7549667 : f32
    %sub3A_35 = vector.broadcast %sub3A : f32 to vector<4096xf32>
    %sub3A_36 = arith.subf %mul3A_31, %sub3A_35 : vector<4096xf32>
    %mul3A_37 = arith.constant 2.540000e+02 : f32
    %mul3A_38 = vector.broadcast %mul3A_37 : f32 to vector<4096xf32>
    %mul3A_39 = arith.mulf %sub3A_36, %mul3A_38 : vector<4096xf32>
    %div3A_40 = arith.constant 986.653259 : f32
    %div3A_41 = vector.broadcast %div3A_40 : f32 to vector<4096xf32>
    %div3A_42 = arith.divf %mul3A_39, %div3A_41 : vector<4096xf32>
    %add3A_43 = arith.constant 1.000000e+00 : f32
    %add3A_44 = vector.broadcast %add3A_43 : f32 to vector<4096xf32>
    %add3A_45 = arith.addf %div3A_42, %add3A_44 : vector<4096xf32>
    %select_n3A_46 = arith.select %gt3A_34, %add3A_45, %mul3A_31 : vector<4096xi1>, vector<4096xf32>
    %le3A = arith.constant 1.000000e+00 : f32
    %le3A_47 = vector.broadcast %le3A : f32 to vector<4096xf32>
    %le3A_48 = arith.cmpf ole, %select_n3A_46, %le3A_47 : vector<4096xf32>
    %jit3A_49 = arith.constant 1.000000e+00 : f32
    %broadcast_in_dim3A_50 = vector.broadcast %jit3A_49 : f32 to vector<4096xf32>
    %select_n3A_51 = arith.select %le3A_48, %broadcast_in_dim3A_50, %select_n3A_46 : vector<4096xi1>, vector<4096xf32>
    %gt3A_52 = arith.constant 2.550000e+02 : f32
    %gt3A_53 = vector.broadcast %gt3A_52 : f32 to vector<4096xf32>
    %gt3A_54 = arith.cmpf ogt, %select_n3A_51, %gt3A_53 : vector<4096xf32>
    %jit3A_55 = arith.constant 2.550000e+02 : f32
    %broadcast_in_dim3A_56 = vector.broadcast %jit3A_55 : f32 to vector<4096xf32>
    %select_n3A_57 = arith.select %gt3A_54, %broadcast_in_dim3A_56, %select_n3A_51 : vector<4096xi1>, vector<4096xf32>
    %add3A_58 = arith.constant 5.000000e-01 : f32
    %add3A_59 = vector.broadcast %add3A_58 : f32 to vector<4096xf32>
    %add3A_60 = arith.addf %select_n3A_57, %add3A_59 : vector<4096xf32>
    %convert_element_type3A = arith.fptosi %add3A_60 : vector<4096xf32> to vector<4096xi32>
    %mul3A_61 = arith.constant 6.400000e+01 : f32
    %mul3A_62 = vector.broadcast %mul3A_61 : f32 to vector<4096xf32>
    %mul3A_63 = arith.mulf %get3A_18, %mul3A_62 : vector<4096xf32>
    %floor3A = math.floor %mul3A_63 : vector<4096xf32>
    %min3A = arith.constant 2.550000e+02 : f32
    %min3A_64 = vector.broadcast %min3A : f32 to vector<4096xf32>
    %min3A_65 = arith.minimumf %floor3A, %min3A_64 : vector<4096xf32>
    %convert_element_type3A_66 = arith.fptosi %min3A_65 : vector<4096xf32> to vector<4096xi32>
    %iota3A = tpu.iota {dimensions = array<i32: 1>} : vector<4096x640xi32>
    %get3A_67 = arith.constant 0 : index
    %get3A_68 = arith.constant 0 : index
    %get3A_69 = arith.constant 0 : index
    %get3A_70 = vector.load %arg7[%get3A_67, %get3A_68, %get3A_69] : memref<1x1x1xf32, #tpu.memory_space<vmem>>, vector<1x1x1xf32>
    %get3A_71 = vector.extract %get3A_70[0, 0, 0] : f32 from vector<1x1x1xf32>
    %convert_element_type3A_72 = arith.fptosi %get3A_71 : f32 to i32
    %add3A_73 = arith.constant 512 : i32
    %add3A_74 = arith.addi %convert_element_type3A_72, %add3A_73 : i32
    %broadcast_in_dim3A_75 = vector.shape_cast %convert_element_type3A : vector<4096xi32> to vector<4096x1xi32>
    %eq3A_76 = vector.broadcast %broadcast_in_dim3A_75 : vector<4096x1xi32> to vector<4096x640xi32>
    %eq3A_77 = arith.cmpi eq, %iota3A, %eq3A_76 : vector<4096x640xi32>
    %add3A_78 = arith.constant 256 : i32
    %add3A_79 = vector.broadcast %add3A_78 : i32 to vector<4096xi32>
    %add3A_80 = arith.addi %convert_element_type3A_66, %add3A_79 : vector<4096xi32>
    %broadcast_in_dim3A_81 = vector.shape_cast %add3A_80 : vector<4096xi32> to vector<4096x1xi32>
    %eq3A_82 = vector.broadcast %broadcast_in_dim3A_81 : vector<4096x1xi32> to vector<4096x640xi32>
    %eq3A_83 = arith.cmpi eq, %iota3A, %eq3A_82 : vector<4096x640xi32>
    %or3A = arith.ori %eq3A_77, %eq3A_83 : vector<4096x640xi1>
    %eq3A_84 = vector.broadcast %add3A_74 : i32 to vector<4096x640xi32>
    %eq3A_85 = arith.cmpi eq, %iota3A, %eq3A_84 : vector<4096x640xi32>
    %or3A_86 = arith.ori %or3A, %eq3A_85 : vector<4096x640xi1>
    %convert_element_type3A_87 = arith.extui %or3A_86 : vector<4096x640xi1> to vector<4096x640xi32>
    %convert_element_type3A_88 = arith.sitofp %convert_element_type3A_87 : vector<4096x640xi32> to vector<4096x640xf32>
    %get3A_89 = arith.constant 0 : index
    %get3A_90 = arith.constant 0 : index
    %get3A_91 = vector.load %arg8[%get3A_89, %get3A_90] : memref<640x256xf32, #tpu.memory_space<vmem>>, vector<640x256xf32>
    %dot_general3A = arith.constant dense<0.000000e+00> : vector<4096x256xf32>
    %dot_general3A_92 = tpu.matmul %convert_element_type3A_88, %get3A_91, %dot_general3A {dimension_numbers = #tpu.dot_dimension_numbers<[1], [0], [0], [1], [0, 0, 1, 1], [], []>, transpose_lhs_hint = false} : vector<4096x640xf32>, vector<640x256xf32>, vector<4096x256xf32> -> vector<4096x256xf32>
    %gt3A_93 = arith.constant 0 : i32
    %gt3A_94 = vector.broadcast %gt3A_93 : i32 to vector<4096xi32>
    %gt3A_95 = arith.cmpi sgt, %get3A_3, %gt3A_94 : vector<4096xi32>
    %convert_element_type3A_96 = arith.extui %gt3A_95 : vector<4096xi1> to vector<4096xi32>
    %convert_element_type3A_97 = arith.sitofp %convert_element_type3A_96 : vector<4096xi32> to vector<4096xf32>
    %broadcast_in_dim3A_98 = vector.shape_cast %convert_element_type3A_97 : vector<4096xf32> to vector<4096x1xf32>
    %get3A_99 = arith.constant 0 : index
    %get3A_100 = arith.constant 0 : index
    %get3A_101 = arith.constant 0 : index
    %get3A_102 = vector.load %arg2[%get3A_99, %get3A_100, %get3A_101] : memref<1x4096x256xf32, #tpu.memory_space<vmem>>, vector<1x4096x256xf32>
    %get3A_103 = vector.shape_cast %get3A_102 : vector<1x4096x256xf32> to vector<4096x256xf32>
    %add3A_104 = arith.addf %get3A_103, %dot_general3A_92 : vector<4096x256xf32>
    %mul3A_105 = vector.broadcast %broadcast_in_dim3A_98 : vector<4096x1xf32> to vector<4096x256xf32>
    %mul3A_106 = arith.mulf %add3A_104, %mul3A_105 : vector<4096x256xf32>
    %swap3A = arith.constant 0 : index
    %swap3A_107 = arith.constant 0 : index
    %swap3A_108 = arith.constant 0 : index
    %swap3A_109 = vector.load %arg9[%swap3A, %swap3A_107, %swap3A_108] : memref<1x4096x256xf32, #tpu.memory_space<vmem>>, vector<1x4096x256xf32>
    %swap3A_110 = vector.shape_cast %swap3A_109 : vector<1x4096x256xf32> to vector<4096x256xf32>
    %swap3A_111 = vector.shape_cast %mul3A_106 : vector<4096x256xf32> to vector<1x4096x256xf32>
    tpu.vector_store %arg9[%swap3A, %swap3A_107, %swap3A_108], %swap3A_111 {strides = array<i32>} : memref<1x4096x256xf32, #tpu.memory_space<vmem>>, vector<1x4096x256xf32>,
    return
  }
  func.func @transform_0(%arg0: i32, %arg1: i32) -> (i32, i32, i32) {
    %c0_i32 = arith.constant 0 : i32
    %c0_i32_0 = arith.constant 0 : i32
    return %arg0, %arg1, %c0_i32 : i32, i32, i32
  }
  func.func @transform_1(%arg0: i32, %arg1: i32) -> (i32, i32, i32) {
    %mul3A = arith.constant 1 : i32
    %mul3A_0 = arith.muli %arg0, %mul3A : i32
    %add3A = arith.addi %mul3A_0, %arg1 : i32
    %c0_i32 = arith.constant 0 : i32
    %c0_i32_1 = arith.constant 0 : i32
    %c0_i32_2 = arith.constant 0 : i32
    return %add3A, %c0_i32, %c0_i32_1 : i32, i32, i32
  }
  func.func @transform_2(%arg0: i32, %arg1: i32) -> (i32, i32, i32) {
    %mul3A = arith.constant 1 : i32
    %mul3A_0 = arith.muli %arg0, %mul3A : i32
    %add3A = arith.addi %mul3A_0, %arg1 : i32
    %c0_i32 = arith.constant 0 : i32
    %c0_i32_1 = arith.constant 0 : i32
    %c0_i32_2 = arith.constant 0 : i32
    return %add3A, %c0_i32, %c0_i32_1 : i32, i32, i32
  }
  func.func @transform_3(%arg0: i32, %arg1: i32) -> (i32, i32, i32) {
    %mul3A = arith.constant 1 : i32
    %mul3A_0 = arith.muli %arg0, %mul3A : i32
    %add3A = arith.addi %mul3A_0, %arg1 : i32
    %c0_i32 = arith.constant 0 : i32
    %c0_i32_1 = arith.constant 0 : i32
    %c0_i32_2 = arith.constant 0 : i32
    return %add3A, %c0_i32, %c0_i32_1 : i32, i32, i32
  }
  func.func @transform_4(%arg0: i32, %arg1: i32) -> (i32, i32, i32) {
    %mul3A = arith.constant 1 : i32
    %mul3A_0 = arith.muli %arg0, %mul3A : i32
    %add3A = arith.addi %mul3A_0, %arg1 : i32
    %c0_i32 = arith.constant 0 : i32
    %c0_i32_1 = arith.constant 0 : i32
    %c0_i32_2 = arith.constant 0 : i32
    return %add3A, %c0_i32, %c0_i32_1 : i32, i32, i32
  }
  func.func @transform_5(%arg0: i32, %arg1: i32) -> (i32, i32, i32) {
    %c0_i32 = arith.constant 0 : i32
    %c0_i32_0 = arith.constant 0 : i32
    %c0_i32_1 = arith.constant 0 : i32
    return %arg0, %c0_i32, %c0_i32_0 : i32, i32, i32
  }
  func.func @transform_6(%arg0: i32, %arg1: i32) -> (i32, i32) {
    %c0_i32 = arith.constant 0 : i32
    %c0_i32_0 = arith.constant 0 : i32
    %c0_i32_1 = arith.constant 0 : i32
    return %c0_i32, %c0_i32_0 : i32, i32
  }
  func.func @transform_7(%arg0: i32, %arg1: i32) -> (i32, i32, i32) {
    %c0_i32 = arith.constant 0 : i32
    %c0_i32_0 = arith.constant 0 : i32
    return %arg0, %arg1, %c0_i32 : i32, i32, i32
  }
}

</mosaic_0001>

<sc_bundles>
// kernel: kernel.4.cloned.1.call-start
scs
__scs_entry_jumppad:
0x0: {  	(pc) =	sbr.rel $0x88, $3  }
0x1: {  	(tag) =	ssettag $0x0;
	lr =	simm.s32 $0x1  }
0x2: {  	[smem:$0x3F98] =	sst lr;
	_ =	strace $0xD0000000  }
0x3: {  	_ = 	snop  }
0x4: {  	_ = 	snop  }
0x5: {  	_ = 	snop  }
0x6: {  	_ = 	snop  }
0x7: {  	_ = 	snop  }
__scs_overlays_trampoline_lowered:
0x8: {  	[smem:$0x3FA7] =	sst s0  }
0x9: {  	[smem:$0x3FA8] =	sst s1  }
0xa: {  	[smem:$0x3FA9] =	sst s2  }
0xb: {  	[smem:$0x3FAA] =	sst s3  }
0xc: {  	[smem:$0x3FAB] =	sst s4  }
0xd: {  	[smem:$0x3FAC] =	sst s5  }
0xe: {  	[smem:$0x3FAD] =	sst s6  }
0xf: {  	[smem:$0x3FAE] =	sst s7  }
0x10: {  	[smem:$0x3FAF] =	sst s8  }
0x11: {  	[smem:$0x3FB0] =	sst s9;
	s0 =	simm.s32 @!p0 $0x0  }
0x12: {  	s1 =	sld [smem:$0x3F96];
	s0 =	simm.s32 @p0 $0x1  }
0x13: {  	[smem:$0x3FB1] =	sst s0;
	s0 =	simm.s32 @!p1 $0x0  }
0x14: {  	s2 =	sld [smem:$0x3F95];
	s0 =	simm.s32 @p1 $0x1  }
0x15: {  	[smem:$0x3FB2] =	sst s0;
	s0 =	simm.s32 @!p2 $0x0  }
0x16: {  	s3 =	sld [smem:$0x3FDB];
	s0 =	simm.s32 @p2 $0x1  }
0x17: {  	s4 =	simm.s32 $0x1BF5;
	[smem:$0x3FB4] =	sst s0  }
0x18: {  	s0 =	sld [smem:$0x3F97];
	_ =	swait.ge [sflag:s4], $0x0  }
0x19: {  	s7 =	sld [smem:$0x3F98]  }
0x1a: {  	s8 =	sadd.s32 $0xFFFFE003, lr  }
0x1b: {  	s9 =	sadd.s32 $0xFFFFFEF7, lr;
	s5 =	simm.s32 $0xFFFFFFFF;
	p2 =	slt.u32 s8, $0xFFFFF086  }
0x1c: {  	p1 =	slt.u32 s9, $0xF7A;
	s5 =	simm.s32 @!p2 $0x0  }
0x1d: {  	s5 =	simm.s32 @p1 $0x1;
	p0 =	seq.s32 s7, s2  }
0x1e: {  	s7 =	smul.u32 @!p0 $0xF7A, s2;
	p2 =	seq.s32 @!p0 s5, $0x0  }
0x1f: {  	s9 =	smul.u32 $0xF7A, s1;
	s8 =	simm.s32 @!p0 $0x1BF5;
	p2 =	por !p2, p0  }
0x20: {  	[sflag:s8] =	ssyncset.s32 @!p0 $0xFFFFF086;
	s6 =	sadd.s32 @!p0 s3, s7;
	s7 =	simm.s32 @!p0 $0x108  }
0x21: {  	s3 =	sadd.s32 s3, s9;
	s6 =	sadd.s32 @!p0 $0x88, s6;
	s7 =	simm.s32 @p2 $0x1082  }
0x22: {  	[simem:s7], [sflag:s8] =	dma.local @!p0 [hbm:s6], $0xF7A  }
0x23: {  	s9 =	sor.u32 $0xD0000000, s2;
	s6 =	simm.s32 $0x108;
	_ =	swait.ge @!p0 [sflag:s8], $0x0  }
0x24: {  	s3 =	sadd.s32 $0x88, s3;
	s6 =	simm.s32 @!p1 $0x1082;
	[sflag:s4] =	ssyncset.s32 $0xFFFFF086  }
0x25: {  	[simem:s6], [sflag:s4] =	dma.local [hbm:s3], $0xF7A  }
0x26: {  	[smem:$0x3F98] =	sst s1;
	(tag) =	ssettag s2;
	_ =	strace s9  }
0x27: {  	s1 =	sld [smem:$0x3FA8]  }
0x28: {  	s2 =	sld [smem:$0x3FA9]  }
0x29: {  	s4 =	sld [smem:$0x3FAB]  }
0x2a: {  	p0 =	seq.s32 s5, $0x0;
	s5 =	sld [smem:$0x3FAC]  }
0x2b: {  	s6 =	sld [smem:$0x3FAD]  }
0x2c: {  	s7 =	sld [smem:$0x3FAE]  }
0x2d: {  	s3 =	simm.s32 $0x108;
	s8 =	sld [smem:$0x3FAF]  }
0x2e: {  	s3 =	simm.s32 @!p0 $0x1082;
	s9 =	sld [smem:$0x3FB0]  }
0x2f: {  	lr =	sadd.s32 s0, s3;
	s0 =	sld [smem:$0x3FA7]  }
0x30: {  	s3 =	sld [smem:$0x3FAA]  }
0x31: {  	[smem:$0x3FB3] =	sst s10  }
0x32: {  	s10 =	sld [smem:$0x3FB1];
	_ =	sdelay $0x3  }
0x33: {  	p0 =	seq.s32 s10, $0x1;
	s10 =	sld [smem:$0x3FB3];
	_ =	sdelay $0x3  }
0x34: {  	[smem:$0x3FB3] =	sst s10  }
0x35: {  	s10 =	sld [smem:$0x3FB2];
	_ =	sdelay $0x3  }
0x36: {  	p1 =	seq.s32 s10, $0x1;
	s10 =	sld [smem:$0x3FB3];
	_ =	sdelay $0x3  }
0x37: {  	[smem:$0x3FB3] =	sst s10  }
0x38: {  	s10 =	sld [smem:$0x3FB4]  }
0x39: {  	_ = 	snop;
	(pc) =	sbr.ind lr, $3  }
0x3a: {  	_ = 	snop  }
0x3b: {  	_ = 	snop  }
0x3c: {  	p2 =	seq.s32 s10, $0x1;
	s10 =	sld [smem:$0x3FB3]  }
0x3d: {  	_ =	shalt  }
0x3e: {  	_ =	shalt  }
0x3f: {  	_ =	shalt  }
0x40: {  	_ =	shalt  }
0x41: {  	_ =	shalt  }
0x42: {  	_ =	shalt  }
0x43: {  	_ =	shalt  }
0x44: {  	_ =	shalt  }
0x45: {  	_ =	shalt  }
0x46: {  	_ =	shalt  }
0x47: {  	_ =	shalt  }
0x48: {  	_ =	shalt  }
0x49: {  	_ =	shalt  }
0x4a: {  	_ =	shalt  }
0x4b: {  	_ =	shalt  }
0x4c: {  	_ =	shalt  }
0x4d: {  	_ =	shalt  }
0x4e: {  	_ =	shalt  }
0x4f: {  	_ =	shalt  }
0x50: {  	_ =	shalt  }
0x51: {  	_ =	shalt  }
0x52: {  	_ =	shalt  }
0x53: {  	_ =	shalt  }
0x54: {  	_ =	shalt  }
0x55: {  	_ =	shalt  }
0x56: {  	_ =	shalt  }
0x57: {  	_ =	shalt  }
0x58: {  	_ =	shalt  }
0x59: {  	_ =	shalt  }
0x5a: {  	_ =	shalt  }
0x5b: {  	_ =	shalt  }
0x5c: {  	_ =	shalt  }
0x5d: {  	_ =	shalt  }
0x5e: {  	_ =	shalt  }
0x5f: {  	_ =	shalt  }
0x60: {  	_ =	shalt  }
0x61: {  	_ =	shalt  }
0x62: {  	_ =	shalt  }
0x63: {  	_ =	shalt  }
0x64: {  	_ =	shalt  }
0x65: {  	_ =	shalt  }
0x66: {  	_ =	shalt  }
0x67: {  	_ =	shalt  }
0x68: {  	_ =	shalt  }
0x69: {  	_ =	shalt  }
0x6a: {  	_ =	shalt  }
0x6b: {  	_ =	shalt  }
0x6c: {  	_ =	shalt  }
0x6d: {  	_ =	shalt  }
0x6e: {  	_ =	shalt  }
0x6f: {  	_ =	shalt  }
0x70: {  	_ =	shalt  }
0x71: {  	_ =	shalt  }
0x72: {  	_ =	shalt  }
0x73: {  	_ =	shalt  }
0x74: {  	_ =	shalt  }
0x75: {  	_ =	shalt  }
0x76: {  	_ =	shalt  }
0x77: {  	_ =	shalt  }
0x78: {  	_ =	shalt  }
0x79: {  	_ =	shalt  }
0x7a: {  	_ =	shalt  }
0x7b: {  	_ =	shalt  }
0x7c: {  	_ =	shalt  }
0x7d: {  	_ =	shalt  }
0x7e: {  	_ =	shalt  }
0x7f: {  	_ =	shalt  }
0x80: {  	_ =	shalt  }
0x81: {  	_ =	shalt  }
0x82: {  	_ =	shalt  }
0x83: {  	_ =	shalt  }
0x84: {  	_ =	shalt  }
0x85: {  	_ =	shalt  }
0x86: {  	_ =	shalt  }
0x87: {  	_ =	shalt  }
.Lfunc_end0:
.L_simem_size_0:
called_computation_lowered:
.L_overlay_start_0:
0x88: {  	s2 =	sld [smem:$0x3FD9]  }
0x89: {  	s3 =	sld [smem:$0x3FFE];
	_ =	sdelay $0x1  }
0x8a: {  	s1 =	srdreg.scid  }
0x8b: {  	s0 =	sand.u32 $0x1, s1  }
0x8c: {  	s17 =	sshll.u32 s0, $0xA;
	s2 =	sadd.s32 s3, s2  }
0x8d: {  	s2 =	sadd.s32 s2, s17  }
0x8e: {  	[smem:$0x3FBF] =	sst s2  }
0x8f: {  	_ = 	snop  }
0x90: {  	s2 =	sld [smem:$0x3FC9]  }
0x91: {  	s18 =	sld [smem:$0x3FD0];
	(tm) =	ssettm $0x1  }
0x92: {  	s4 =	sld [smem:$0x3FFB];
	_ =	sdelay $0x3  }
0x93: {  	_ =	strace s4  }
0x94: {  	s4 =	sld [smem:$0x3FFC];
	_ =	sdelay $0x3  }
0x95: {  	_ =	strace s4  }
0x96: {  	s4 =	sld [smem:$0x3FFD];
	_ =	sdelay $0x3  }
0x97: {  	_ =	strace s4  }
0x98: {  	_ =	strace $0x8FFFFFFF  }
0x99: {  	s19 =	sld [smem:$0x3FDB];
	_ =	sdelay $0x1  }
0x9a: {  	s5 =	simm.s32 $_scs_section_size  }
0x9b: {  	s6 =	simm.s32 $_size__tile_overlayer_lowered;
	s7 =	simm.s32 $_tile_overlayer_lowered  }
0x9c: {  	s22 =	simm.s32 $0x1BFF;
	s21 =	sshll.u32 s7, $0x1;
	s4 =	sadd.s32 s5, s19  }
0x9d: {  	s8 =	simm.s32 $0x0;
	s20 =	sshll.u32 s6, $0x1;
	s6 =	sadd.s32 s21, s4  }
0x9e: {  	[timem:s8], [sflag:s22] =	dma.local [hbm:s6], s20  }
0x9f: {  	_ =	swait.ge [sflag:s22], s20  }
0xa0: {  	s5 =	ssub.s32 $0x0, s20;
	[sflag:s22] =	ssyncset.done $0x0  }
0xa1: {  	[sflag:s22] =	ssyncadd.s32 s5;
	_ =	sdelay $0x1  }
0xa2: {  	s23 =	simm.s32 $0x1B8B  }
0xa3: {  	_ =	swait.ge [sflag:s23], $0x1  }
0xa4: {  	[sflag:s23] =	ssyncset.done $0x0  }
0xa5: {  	s25 =	simm.s32 $0x1B8E;
	s24 =	sld [smem:$0x3FFE];
	[sflag:s23] =	ssyncadd.s32 $0xFFFFFFFF  }
0xa6: {  	s26 =	simm.s32 $execute0_lowered;
	[smem:$0x3FD2] =	sst s25  }
0xa7: {  	s6 =	sshll.u32 s26, $0x1;
	_ =	strace $0x80000046;
	[dreg:$0x1] =	wrdreg $0xFFFFFFFF  }
0xa8: {  	s28 =	simm.s32 $_size_execute0_lowered;
	s4 =	sadd.s32 s4, s6;
	[dreg:$0x0] =	wrdreg $0x0  }
0xa9: {  	s6 =	sshll.u32 s28, $0x1;
	[dreg:$0x2] =	wrdreg s4  }
0xaa: {  	[dreg:$0x3] =	wrdreg s6  }
0xab: {  	[dreg:$0x4] =	wrdreg $0xC0  }
0xac: {  	_ =	task [dreg:s8], $0x5FFFF  }
0xad: {  	[dreg:$0x1] =	wrdreg $0xFFFFFFFF  }
0xae: {  	[dreg:$0x0] =	wrdreg $0x60  }
0xaf: {  	[dreg:$0x2] =	wrdreg s18  }
0xb0: {  	[dreg:$0x3] =	wrdreg s2  }
0xb1: {  	[dreg:$0x4] =	wrdreg s24  }
0xb2: {  	[dreg:$0x5] =	wrdreg $0x9  }
0xb3: {  	_ =	task.clear_ibuf [dreg:s8], $0x6FFFF;
	_ =	strace $0x90000046  }
0xb4: {  	s29 =	simm.s32 $0x9;
	_ =	strace $0x80000048  }
0xb5: {  	_ =	swait.ge [sflag:s29], $0x1  }
0xb6: {  	[sflag:s29] =	ssyncadd.s32 $0xFFFFFFFF  }
0xb7: {  	_ =	strace $0x90000048  }
0xb8: {  	_ =	sfence  }
0xb9: {  	s30 =	sld [smem:$0x0];
	_ =	sdelay $0x2  }
0xba: {  	s31 =	sshll.u32 s1, $0xD;
	s1 =	sshrl.u32 s1, $0x2  }
0xbb: {  	s3 =	sand.u32 $0x4000, s31;
	s1 =	sadd.s32 s1, s30  }
0xbc: {  	s0 =	sor.u32 s3, s0;
	s1 =	sshll.u32 s1, $0x11  }
0xbd: {  	s0 =	sor.u32 s1, s0  }
0xbe: {  	s0 =	sadd.s32 $0x8F2B, s0  }
0xbf: {  	[sflag:s0] =	ssyncadd.remote.s32 $0x1  }
0xc0: {  	_ =	sfence.sel $0xFFFF  }
0xc1: {  	[dreg:$0x0] =	wrdreg $0xFFFFFFFF;
	(pc) =	sbr.abs _section_cstart, $3  }
0xc2: {  	[dreg:$0x1] =	wrdreg $0xFFFFFFFF  }
0xc3: {  	_ =	task.clear_ibuf [dreg:s8], $0x2FFFF;
	_ =	strace $0x9FFFFFFF  }
0xc4: {  	(tm) =	ssettm $0x7FFFFFFF  }
0xc5: {  	_ =	shalt  }
tec
execute0_lowered:
.L_overlay_start_1:
0x0: {  	(tag) =	ssettag $0x1  }
0x1: {  	s0 =	rddreg [dreg:$0x0]  }
0x2: {  	s1 =	rddreg [dreg:$0x1]  }
0x3: {  	s2 =	rddreg [dreg:$0x2];
	s4 =	srdreg.scid;
	s3 =	simm.s32 $0x0  }
0x4: {  	s9 =	stileid.u32;
	s8 =	simm.s32 $0x1;
	s21 =	simm.s32 $0x6800  }
0x5: {  	s28 =	simm.s32 $0x9800;
	s29 =	simm.s32 $0xA000;
	s30 =	simm.s32 $0xA800  }
0x6: {  	s31 =	simm.s32 $0xB000;
	s10 =	simm.s32 $0xE000;
	s11 =	simm.s32 $0xE800  }
0x7: {  	s12 =	simm.s32 $0xF000;
	s14 =	simm.s32 $0x10000;
	s15 =	simm.s32 $0x2  }
0x8: {  	s16 =	simm.s32 $0x3;
	s19 =	simm.s32 $0x0;
	s5 =	sand.u32 $0x1, s4  }
0x9: {  	[smem:$0x7FF] =	sst s3;
	s22 =	sshll.u32 s9, $0xC;
	s23 =	sshll.u32 s9, $0x11  }
0xa: {  	s4 =	simm.s32 $0x1;
	s6 =	sshll.u32 s5, $0xB;
	_ =	strace $0x80000047  }
0xb: {  	p1 =	seq.s32 s5, $0x1;
	s2 =	sadd.s32 s23, s2;
	s24 =	ssub.s32 $0x2, s5  }
0xc: {  	s5 =	sshll.u32 s5, $0x10;
	s23 =	simm.s32 $0x7800;
	s6 =	sor.u32 s6, s22  }
0xd: {  	s7 =	sshrl.u32 s24, $0x1;
	s25 =	sadd.s32 s5, s2;
	s22 =	simm.s32 $0x7000  }
0xe: {  	s2 =	simm.s32 $0xC000;
	s5 =	simm.s32 $0xC800;
	p0 =	seq.s32 s6, $0x0  }
0xf: {  	s7 =	ssub.s32 s24, s7;
	s6 =	sshrl.u32 s6, $0x3;
	s24 =	simm.s32 $0x8000  }
0x10: {  	p0 =	por !p0, !p1;
	s0 =	sadd.s32 s0, s6;
	s26 =	smax.u32 s7, $0x1  }
.Ltmp0:
0x11: {  	s7 =	sadd.s32 $0x1600, s25;
	p0 =	por !p0, !p0;
	(pc) =	sbr.rel .LBB2_1-.Ltmp0, $4  }
0x12: {  	s25 =	simm.s32 $0x8800;
	[dreg:$0x4] =	wrdreg s0;
	s8 =	simm.s32 @!p0 $0x0  }
0x13: {  	v3 =	vlaneseq.u32;
	s6 =	simm.s32 $0xD000;
	[dreg:$0x5] =	wrdreg s26;
	s8 =	ssub.s32 s9, s8  }
0x14: {  	vm0 =	vmmov $0xffff;
	v1 =	vand.u32 $0x7, v3;
	v2 =	vshrl.u32 v3, $0x3;
	s26 =	simm.s32 $0x9000;
	s0 =	simm.s32 $0xB800;
	s13 =	sshll.u32 s8, $0xB  }
0x15: {  	v3 =	vor.u32 $0x8, v3;
	v2 =	vmul.u32 $0x8, v2;
	s9 =	simm.s32 $0x800;
	s8 =	simm.s32 $0xD800;
	v0 =	vmov s13;
	s13 =	simm.s32 $0xF800  }
.LBB2_6:
0x16: {  	s18 =	simm.s32 $0x4  }
0x17: {  	_ =	swait.ge [sflag:s18], $0x8000  }
0x18: {  	s19 =	rddreg [dreg:$0x6]  }
0x19: {  	s17 =	rddreg [dreg:$0x5];
	s19 =	sadd.s32 $0x1, s19  }
0x1a: {  	p0 =	sne.s32 s19, s17  }
.Ltmp1:
0x1b: {  	_ = 	snop;
	(pc) =	sbr.rel @!p0 .LBB2_7-.Ltmp1, $3  }
0x1c: {  	_ =	sdelay $0x1  }
0x1d: {  	[sflag:s18] =	ssyncset.done $0x0  }
0x1e: {  	[sflag:s18] =	ssyncadd.s32 $0xFFFF8000  }
.LBB2_1:
0x1f: {  	[dreg:$0x6] =	wrdreg s19  }
0x20: {  	s17 =	rddreg [dreg:$0x4];
	s20 =	simm.s32 $0x5  }
0x21: {  	[tilespmem:s3], [sflag:$0x5] =	stream.linear.gather [hbm4b:s17+s3], $0x800, $0x38;
	[tilespmem:$0x10800] =	vst v63  }
0x22: {  	_ =	swait.ge [sflag:s20], $0x800  }
0x23: {  	[sflag:s20] =	ssyncset.done $0x0  }
0x24: {  	s18 =	simm.s32 $0x20;
	[sflag:s20] =	ssyncadd.s32 $0xFFFFF800  }
0x25: {  	v4 =	vld [tilespmem:s18+$0xFFFFFFF0]  }
0x26: {  	v5 =	vld [tilespmem:s18+$0x10]  }
0x27: {  	v6 =	vld [tilespmem:s18+$0x0]  }
0x28: {  	v7 =	vld [tilespmem:s18+$0xFFFFFFE0];
	_ =	sdelay $0x1  }
0x29: {  	s17 =	simm.s32 $0x60  }
0x2a: {  	v9 =	vld [tilespmem:s17+$0xFFFFFFF0];
	v5 =	vadd.s32 $0xFFFFFFFF, v5  }
0x2b: {  	v4 =	vadd.s32 $0xFFFFFFFF, v4;
	v8 =	vadd.s32 $0xFFFFFFFF, v6;
	vm1 =	vgt.s32 v5, $0x0  }
0x2c: {  	v7 =	vadd.s32 $0xFFFFFFFF, v7;
	vm2 =	vgt.s32 v8, $0x0;
	v6 =	vnsel vm1, $0x0, v5;
	v5 =	vld [tilespmem:s17+$0x10]  }
0x2d: {  	vm3 =	vgt.s32 v4, $0x0;
	vm1 =	vgt.s32 v7, $0x0;
	v10 =	vnsel vm2, $0x0, v8;
	v8 =	vld [tilespmem:s17+$0x0]  }
0x2e: {  	v12 =	vnsel vm3, $0x0, v4;
	v11 =	vnsel vm1, $0x0, v7;
	v13 =	vadd.s32 v0, v10;
	v7 =	vld [tilespmem:s17+$0xFFFFFFE0]  }
0x2f: {  	s19 =	simm.s32 $0x4;
	s20 =	simm.s32 $0xA0;
	v4 =	vadd.s32 $0xFFFFFFFF, v9;
	v10 =	vadd.s32 v0, v12;
	v9 =	vadd.s32 v0, v11;
	[tilespmem:s18+$0x0] =	vst v13  }
.LBB2_2:
0x30: {  	s19 =	sadd.s32 $0x4, s19  }
0x31: {  	v11 =	vld [tilespmem:s20+$0xFFFFFFF0];
	v12 =	vadd.s32 $0xFFFFFFFF, v5;
	[tilespmem:s18+$0xFFFFFFF0] =	vst v10;
	v6 =	vadd.s32 v0, v6;
	p0 =	slt.u32 s19, $0x7C  }
.Ltmp2:
0x32: {  	v5 =	vld [tilespmem:s20+$0x10];
	v10 =	vadd.s32 $0xFFFFFFFF, v8;
	vm1 =	vgt.s32 v12, $0x0;
	[tilespmem:s18+$0x10] =	vst v6;
	(pc) =	sbr.rel @p0 .LBB2_2-.Ltmp2, $4  }
0x33: {  	v8 =	vld [tilespmem:s20+$0x0];
	v13 =	vadd.s32 $0xFFFFFFFF, v7;
	vm2 =	vgt.s32 v10, $0x0;
	v6 =	vnsel vm1, $0x0, v12;
	[tilespmem:s18+$0xFFFFFFE0] =	vst v9;
	s18 =	smov.u32 s17;
	s17 =	smov.u32 s20  }
0x34: {  	vm3 =	vgt.s32 v4, $0x0;
	v7 =	vld [tilespmem:s20+$0xFFFFFFE0];
	vm1 =	vgt.s32 v13, $0x0;
	v9 =	vnsel vm2, $0x0, v10  }
0x35: {  	v12 =	vnsel vm3, $0x0, v4;
	v10 =	vnsel vm1, $0x0, v13;
	v13 =	vadd.s32 v0, v9  }
0x36: {  	s20 =	sadd.s32 $0x40, s20;
	v4 =	vadd.s32 $0xFFFFFFFF, v11;
	v9 =	vadd.s32 v0, v10;
	v10 =	vadd.s32 v0, v12;
	[tilespmem:s18+$0x0] =	vst v13  }
0x37: {  	_ = 	snop  }
0x38: {  	v8 =	vadd.s32 $0xFFFFFFFF, v8  }
0x39: {  	v5 =	vadd.s32 $0xFFFFFFFF, v5;
	[tilespmem:s18+$0xFFFFFFF0] =	vst v10;
	v6 =	vadd.s32 v0, v6;
	vm1 =	vgt.s32 v8, $0x0  }
0x3a: {  	[tilespmem:s18+$0xFFFFFFE0] =	vst v9;
	vm2 =	vgt.s32 v5, $0x0;
	v62 =	vnsel vm1, $0x0, v8;
	vm1 =	vgt.s32 v4, $0x0  }
0x3b: {  	[tilespmem:s18+$0x10] =	vst v6;
	v7 =	vadd.s32 $0xFFFFFFFF, v7;
	v4 =	vnsel vm1, $0x0, v4;
	v6 =	vadd.s32 v0, v62  }
0x3c: {  	v5 =	vnsel vm2, $0x0, v5;
	vm1 =	vgt.s32 v7, $0x0;
	v4 =	vadd.s32 v0, v4;
	[tilespmem:s17+$0x0] =	vst v6  }
0x3d: {  	v63 =	vnsel vm1, $0x0, v7;
	[tilespmem:s17+$0xFFFFFFF0] =	vst v4;
	v4 =	vadd.s32 v0, v5  }
0x3e: {  	v5 =	vadd.s32 v0, v63;
	[tilespmem:s17+$0x10] =	vst v4  }
0x3f: {  	[tilespmem:s17+$0xFFFFFFE0] =	vst v5  }
0x40: {  	v4 =	vld [tilespmem:$0x0];
	_ =	sdelay $0x4  }
0x41: {  	v5 =	vshll.u32 v4, $0x1  }
0x42: {  	v4 =	vand.u32 $0x7, v4;
	v5 =	vand.u32 $0xFFFFFFF0, v5  }
0x43: {  	v4 =	vor.u32 v4, v5  }
0x44: {  	v5 =	vperm.xlane v4, v1;
	_ =	sdelay $0x1  }
0x45: {  	v4 =	vperm.xlane v4, v3;
	v5 =	vadd.s32 v2, v5;
	_ =	sdelay $0x1  }
0x46: {  	v4 =	vadd.s32 v2, v4;
	_ =	sdelay $0x1  }
0x47: {  	s17 =	simm.s32 $0x0  }
0x48: {  	[tilespmem:s9], [sflag:$0x1] =	stream.indirect_vreg.gather [hbm4b:s1+s17], $0x80, v5, vm0, $0xb8;
	[tilespmem:$0x10800] =	vst v63  }
0x49: {  	s20 =	simm.s32 $0x1000  }
0x4a: {  	[tilespmem:s20], [sflag:$0x1] =	stream.indirect_vreg.gather [hbm4b:s1+s17], $0x80, v4, vm0, $0xb8;
	[tilespmem:$0x10800] =	vst v63  }
0x4b: {  	v4 =	vld [tilespmem:$0x10];
	_ =	sdelay $0x4  }
0x4c: {  	v5 =	vshll.u32 v4, $0x1  }
0x4d: {  	v4 =	vand.u32 $0x7, v4;
	v5 =	vand.u32 $0xFFFFFFF0, v5  }
0x4e: {  	v4 =	vor.u32 v4, v5  }
0x4f: {  	v5 =	vperm.xlane v4, v1;
	_ =	sdelay $0x1  }
0x50: {  	v4 =	vperm.xlane v4, v3;
	v5 =	vadd.s32 v2, v5;
	_ =	sdelay $0x1  }
0x51: {  	v4 =	vadd.s32 v2, v4;
	_ =	sdelay $0x1  }
0x52: {  	s19 =	simm.s32 $0x1800  }
0x53: {  	[tilespmem:s19], [sflag:$0x1] =	stream.indirect_vreg.gather [hbm4b:s1+s17], $0x80, v5, vm0, $0xb8;
	[tilespmem:$0x10800] =	vst v63  }
0x54: {  	s20 =	simm.s32 $0x2000  }
0x55: {  	[tilespmem:s20], [sflag:$0x1] =	stream.indirect_vreg.gather [hbm4b:s1+s17], $0x80, v4, vm0, $0xb8;
	[tilespmem:$0x10800] =	vst v63  }
0x56: {  	v4 =	vld [tilespmem:$0x20];
	_ =	sdelay $0x4  }
0x57: {  	v5 =	vshll.u32 v4, $0x1  }
0x58: {  	v4 =	vand.u32 $0x7, v4;
	v5 =	vand.u32 $0xFFFFFFF0, v5  }
0x59: {  	v4 =	vor.u32 v4, v5  }
0x5a: {  	v5 =	vperm.xlane v4, v1;
	_ =	sdelay $0x1  }
0x5b: {  	v4 =	vperm.xlane v4, v3;
	v5 =	vadd.s32 v2, v5;
	_ =	sdelay $0x1  }
0x5c: {  	v4 =	vadd.s32 v2, v4;
	_ =	sdelay $0x1  }
0x5d: {  	s19 =	simm.s32 $0x2800  }
0x5e: {  	[tilespmem:s19], [sflag:$0x1] =	stream.indirect_vreg.gather [hbm4b:s1+s17], $0x80, v5, vm0, $0xb8;
	[tilespmem:$0x10800] =	vst v63  }
0x5f: {  	s20 =	simm.s32 $0x3000  }
0x60: {  	[tilespmem:s20], [sflag:$0x1] =	stream.indirect_vreg.gather [hbm4b:s1+s17], $0x80, v4, vm0, $0xb8;
	[tilespmem:$0x10800] =	vst v63  }
0x61: {  	v4 =	vld [tilespmem:$0x30];
	_ =	sdelay $0x4  }
0x62: {  	v5 =	vshll.u32 v4, $0x1  }
0x63: {  	v4 =	vand.u32 $0x7, v4;
	v5 =	vand.u32 $0xFFFFFFF0, v5  }
0x64: {  	v4 =	vor.u32 v4, v5  }
0x65: {  	v5 =	vperm.xlane v4, v1;
	_ =	sdelay $0x1  }
0x66: {  	v4 =	vperm.xlane v4, v3;
	v5 =	vadd.s32 v2, v5;
	_ =	sdelay $0x1  }
0x67: {  	v4 =	vadd.s32 v2, v4;
	_ =	sdelay $0x1  }
0x68: {  	s19 =	simm.s32 $0x3800  }
0x69: {  	[tilespmem:s19], [sflag:$0x1] =	stream.indirect_vreg.gather [hbm4b:s1+s17], $0x80, v5, vm0, $0xb8;
	[tilespmem:$0x10800] =	vst v63  }
0x6a: {  	s20 =	simm.s32 $0x4000  }
0x6b: {  	[tilespmem:s20], [sflag:$0x1] =	stream.indirect_vreg.gather [hbm4b:s1+s17], $0x80, v4, vm0, $0xb8;
	[tilespmem:$0x10800] =	vst v63  }
0x6c: {  	v4 =	vld [tilespmem:$0x40];
	_ =	sdelay $0x4  }
0x6d: {  	v5 =	vshll.u32 v4, $0x1  }
0x6e: {  	v4 =	vand.u32 $0x7, v4;
	v5 =	vand.u32 $0xFFFFFFF0, v5  }
0x6f: {  	v4 =	vor.u32 v4, v5  }
0x70: {  	v5 =	vperm.xlane v4, v1;
	_ =	sdelay $0x1  }
0x71: {  	v4 =	vperm.xlane v4, v3;
	v5 =	vadd.s32 v2, v5;
	_ =	sdelay $0x1  }
0x72: {  	v4 =	vadd.s32 v2, v4;
	_ =	sdelay $0x1  }
0x73: {  	s19 =	simm.s32 $0x4800  }
0x74: {  	[tilespmem:s19], [sflag:$0x1] =	stream.indirect_vreg.gather [hbm4b:s1+s17], $0x80, v5, vm0, $0xb8;
	[tilespmem:$0x10800] =	vst v63  }
0x75: {  	s20 =	simm.s32 $0x5000  }
0x76: {  	[tilespmem:s20], [sflag:$0x1] =	stream.indirect_vreg.gather [hbm4b:s1+s17], $0x80, v4, vm0, $0xb8;
	[tilespmem:$0x10800] =	vst v63  }
0x77: {  	v4 =	vld [tilespmem:$0x50];
	_ =	sdelay $0x4  }
0x78: {  	v5 =	vshll.u32 v4, $0x1  }
0x79: {  	v4 =	vand.u32 $0x7, v4;
	v5 =	vand.u32 $0xFFFFFFF0, v5  }
0x7a: {  	v4 =	vor.u32 v4, v5  }
0x7b: {  	v5 =	vperm.xlane v4, v1;
	_ =	sdelay $0x1  }
0x7c: {  	v4 =	vperm.xlane v4, v3;
	v5 =	vadd.s32 v2, v5;
	_ =	sdelay $0x1  }
0x7d: {  	v4 =	vadd.s32 v2, v4;
	_ =	sdelay $0x1  }
0x7e: {  	s19 =	simm.s32 $0x5800  }
0x7f: {  	[tilespmem:s19], [sflag:$0x1] =	stream.indirect_vreg.gather [hbm4b:s1+s17], $0x80, v5, vm0, $0xb8;
	[tilespmem:$0x10800] =	vst v63  }
0x80: {  	s20 =	simm.s32 $0x6000  }
0x81: {  	[tilespmem:s20], [sflag:$0x1] =	stream.indirect_vreg.gather [hbm4b:s1+s17], $0x80, v4, vm0, $0xb8;
	[tilespmem:$0x10800] =	vst v63  }
0x82: {  	v4 =	vld [tilespmem:$0x60];
	_ =	sdelay $0x4  }
0x83: {  	v5 =	vshll.u32 v4, $0x1  }
0x84: {  	v4 =	vand.u32 $0x7, v4;
	v5 =	vand.u32 $0xFFFFFFF0, v5  }
0x85: {  	v4 =	vor.u32 v4, v5  }
0x86: {  	v5 =	vperm.xlane v4, v1;
	_ =	sdelay $0x1  }
0x87: {  	v4 =	vperm.xlane v4, v3;
	v5 =	vadd.s32 v2, v5;
	_ =	sdelay $0x1  }
0x88: {  	v4 =	vadd.s32 v2, v4;
	_ =	sdelay $0x2  }
0x89: {  	[tilespmem:s21], [sflag:$0x1] =	stream.indirect_vreg.gather [hbm4b:s1+s17], $0x80, v5, vm0, $0xb8;
	[tilespmem:$0x10800] =	vst v63  }
0x8a: {  	_ = 	snop  }
0x8b: {  	[tilespmem:s22], [sflag:$0x1] =	stream.indirect_vreg.gather [hbm4b:s1+s17], $0x80, v4, vm0, $0xb8;
	[tilespmem:$0x10800] =	vst v63  }
0x8c: {  	v4 =	vld [tilespmem:$0x70];
	_ =	sdelay $0x4  }
0x8d: {  	v5 =	vshll.u32 v4, $0x1  }
0x8e: {  	v4 =	vand.u32 $0x7, v4;
	v5 =	vand.u32 $0xFFFFFFF0, v5  }
0x8f: {  	v4 =	vor.u32 v4, v5  }
0x90: {  	v5 =	vperm.xlane v4, v1;
	_ =	sdelay $0x1  }
0x91: {  	v4 =	vperm.xlane v4, v3;
	v5 =	vadd.s32 v2, v5;
	_ =	sdelay $0x1  }
0x92: {  	v4 =	vadd.s32 v2, v4;
	_ =	sdelay $0x2  }
0x93: {  	[tilespmem:s23], [sflag:$0x1] =	stream.indirect_vreg.gather [hbm4b:s1+s17], $0x80, v5, vm0, $0xb8;
	[tilespmem:$0x10800] =	vst v63  }
0x94: {  	s18 =	simm.s32 $0xC0  }
0x95: {  	[tilespmem:s24], [sflag:$0x1] =	stream.indirect_vreg.gather [hbm4b:s1+s17], $0x80, v4, vm0, $0xb8;
	[tilespmem:$0x10800] =	vst v63  }
.LBB2_4:
0x96: {  	_ =	swait.ge [sflag:s4], $0x8000  }
0x97: {  	p0 =	seq.s32 s17, $0x0;
	[sflag:s4] =	ssyncset.done $0x0  }
0x98: {  	s19 =	sadd.s32 s17, s7;
	s20 =	simm.s32 @!p0 $0x4;
	[sflag:s4] =	ssyncadd.s32 $0xFFFF8000  }
0x99: {  	[hbm4b:s19+s3] =	stream.linear.scatter [tilespmem:s9], [sflag:$0x3], $0x8000, $0x38;
	[tilespmem:$0x10800] =	vst v63  }
0x9a: {  	_ =	swait.ge @!p0 [sflag:s20], $0x8000  }
0x9b: {  	[sflag:s20] =	ssyncset.done @!p0 $0x0  }
0x9c: {  	[sflag:s20] =	ssyncadd.s32 @!p0 $0xFFFF8000  }
0x9d: {  	v4 =	vld [tilespmem:s18+$0xFFFFFFC0];
	_ =	sdelay $0x4  }
0x9e: {  	v5 =	vshll.u32 v4, $0x1  }
0x9f: {  	v4 =	vand.u32 $0x7, v4;
	v5 =	vand.u32 $0xFFFFFFF0, v5  }
0xa0: {  	v4 =	vor.u32 v4, v5  }
0xa1: {  	v5 =	vperm.xlane v4, v1;
	_ =	sdelay $0x1  }
0xa2: {  	v4 =	vperm.xlane v4, v3;
	v5 =	vadd.s32 v2, v5;
	_ =	sdelay $0x1  }
0xa3: {  	v4 =	vadd.s32 v2, v4;
	_ =	sdelay $0x2  }
0xa4: {  	[tilespmem:s25], [sflag:$0x2] =	stream.indirect_vreg.gather [hbm4b:s1+s3], $0x80, v5, vm0, $0xb8;
	[tilespmem:$0x10800] =	vst v63  }
0xa5: {  	_ = 	snop  }
0xa6: {  	[tilespmem:s26], [sflag:$0x2] =	stream.indirect_vreg.gather [hbm4b:s1+s3], $0x80, v4, vm0, $0xb8;
	[tilespmem:$0x10800] =	vst v63  }
0xa7: {  	v4 =	vld [tilespmem:s18+$0xFFFFFFD0];
	_ =	sdelay $0x4  }
0xa8: {  	v5 =	vshll.u32 v4, $0x1  }
0xa9: {  	v4 =	vand.u32 $0x7, v4;
	v5 =	vand.u32 $0xFFFFFFF0, v5  }
0xaa: {  	v4 =	vor.u32 v4, v5  }
0xab: {  	v5 =	vperm.xlane v4, v1;
	_ =	sdelay $0x1  }
0xac: {  	v4 =	vperm.xlane v4, v3;
	v5 =	vadd.s32 v2, v5;
	_ =	sdelay $0x1  }
0xad: {  	v4 =	vadd.s32 v2, v4;
	_ =	sdelay $0x2  }
0xae: {  	[tilespmem:s28], [sflag:$0x2] =	stream.indirect_vreg.gather [hbm4b:s1+s3], $0x80, v5, vm0, $0xb8;
	[tilespmem:$0x10800] =	vst v63  }
0xaf: {  	_ = 	snop  }
0xb0: {  	[tilespmem:s29], [sflag:$0x2] =	stream.indirect_vreg.gather [hbm4b:s1+s3], $0x80, v4, vm0, $0xb8;
	[tilespmem:$0x10800] =	vst v63  }
0xb1: {  	v4 =	vld [tilespmem:s18+$0xFFFFFFE0];
	_ =	sdelay $0x4  }
0xb2: {  	v5 =	vshll.u32 v4, $0x1  }
0xb3: {  	v4 =	vand.u32 $0x7, v4;
	v5 =	vand.u32 $0xFFFFFFF0, v5  }
0xb4: {  	v4 =	vor.u32 v4, v5  }
0xb5: {  	v5 =	vperm.xlane v4, v1;
	_ =	sdelay $0x1  }
0xb6: {  	v4 =	vperm.xlane v4, v3;
	v5 =	vadd.s32 v2, v5;
	_ =	sdelay $0x1  }
0xb7: {  	v4 =	vadd.s32 v2, v4;
	_ =	sdelay $0x2  }
0xb8: {  	[tilespmem:s30], [sflag:$0x2] =	stream.indirect_vreg.gather [hbm4b:s1+s3], $0x80, v5, vm0, $0xb8;
	[tilespmem:$0x10800] =	vst v63  }
0xb9: {  	_ = 	snop  }
0xba: {  	[tilespmem:s31], [sflag:$0x2] =	stream.indirect_vreg.gather [hbm4b:s1+s3], $0x80, v4, vm0, $0xb8;
	[tilespmem:$0x10800] =	vst v63  }
0xbb: {  	v4 =	vld [tilespmem:s18+$0xFFFFFFF0];
	_ =	sdelay $0x4  }
0xbc: {  	v5 =	vshll.u32 v4, $0x1  }
0xbd: {  	v4 =	vand.u32 $0x7, v4;
	v5 =	vand.u32 $0xFFFFFFF0, v5  }
0xbe: {  	v4 =	vor.u32 v4, v5  }
0xbf: {  	v5 =	vperm.xlane v4, v1;
	_ =	sdelay $0x1  }
0xc0: {  	v4 =	vperm.xlane v4, v3;
	v5 =	vadd.s32 v2, v5;
	_ =	sdelay $0x1  }
0xc1: {  	v4 =	vadd.s32 v2, v4;
	_ =	sdelay $0x2  }
0xc2: {  	[tilespmem:s0], [sflag:$0x2] =	stream.indirect_vreg.gather [hbm4b:s1+s3], $0x80, v5, vm0, $0xb8;
	[tilespmem:$0x10800] =	vst v63  }
0xc3: {  	_ = 	snop  }
0xc4: {  	[tilespmem:s2], [sflag:$0x2] =	stream.indirect_vreg.gather [hbm4b:s1+s3], $0x80, v4, vm0, $0xb8;
	[tilespmem:$0x10800] =	vst v63  }
0xc5: {  	v4 =	vld [tilespmem:s18+$0x0];
	_ =	sdelay $0x4  }
0xc6: {  	v5 =	vshll.u32 v4, $0x1  }
0xc7: {  	v4 =	vand.u32 $0x7, v4;
	v5 =	vand.u32 $0xFFFFFFF0, v5  }
0xc8: {  	v4 =	vor.u32 v4, v5  }
0xc9: {  	v5 =	vperm.xlane v4, v1;
	_ =	sdelay $0x1  }
0xca: {  	v4 =	vperm.xlane v4, v3;
	v5 =	vadd.s32 v2, v5;
	_ =	sdelay $0x1  }
0xcb: {  	v4 =	vadd.s32 v2, v4;
	_ =	sdelay $0x2  }
0xcc: {  	[tilespmem:s5], [sflag:$0x2] =	stream.indirect_vreg.gather [hbm4b:s1+s3], $0x80, v5, vm0, $0xb8;
	[tilespmem:$0x10800] =	vst v63  }
0xcd: {  	_ = 	snop  }
0xce: {  	[tilespmem:s6], [sflag:$0x2] =	stream.indirect_vreg.gather [hbm4b:s1+s3], $0x80, v4, vm0, $0xb8;
	[tilespmem:$0x10800] =	vst v63  }
0xcf: {  	v4 =	vld [tilespmem:s18+$0x10];
	_ =	sdelay $0x4  }
0xd0: {  	v5 =	vshll.u32 v4, $0x1  }
0xd1: {  	v4 =	vand.u32 $0x7, v4;
	v5 =	vand.u32 $0xFFFFFFF0, v5  }
0xd2: {  	v4 =	vor.u32 v4, v5  }
0xd3: {  	v5 =	vperm.xlane v4, v1;
	_ =	sdelay $0x1  }
0xd4: {  	v4 =	vperm.xlane v4, v3;
	v5 =	vadd.s32 v2, v5;
	_ =	sdelay $0x1  }
0xd5: {  	v4 =	vadd.s32 v2, v4;
	_ =	sdelay $0x2  }
0xd6: {  	[tilespmem:s8], [sflag:$0x2] =	stream.indirect_vreg.gather [hbm4b:s1+s3], $0x80, v5, vm0, $0xb8;
	[tilespmem:$0x10800] =	vst v63  }
0xd7: {  	_ = 	snop  }
0xd8: {  	[tilespmem:s10], [sflag:$0x2] =	stream.indirect_vreg.gather [hbm4b:s1+s3], $0x80, v4, vm0, $0xb8;
	[tilespmem:$0x10800] =	vst v63  }
0xd9: {  	v4 =	vld [tilespmem:s18+$0x20];
	_ =	sdelay $0x4  }
0xda: {  	v5 =	vshll.u32 v4, $0x1  }
0xdb: {  	v4 =	vand.u32 $0x7, v4;
	v5 =	vand.u32 $0xFFFFFFF0, v5  }
0xdc: {  	v4 =	vor.u32 v4, v5  }
0xdd: {  	v5 =	vperm.xlane v4, v1;
	_ =	sdelay $0x1  }
0xde: {  	v4 =	vperm.xlane v4, v3;
	v5 =	vadd.s32 v2, v5;
	_ =	sdelay $0x1  }
0xdf: {  	v4 =	vadd.s32 v2, v4;
	_ =	sdelay $0x2  }
0xe0: {  	[tilespmem:s11], [sflag:$0x2] =	stream.indirect_vreg.gather [hbm4b:s1+s3], $0x80, v5, vm0, $0xb8;
	[tilespmem:$0x10800] =	vst v63  }
0xe1: {  	_ = 	snop  }
0xe2: {  	[tilespmem:s12], [sflag:$0x2] =	stream.indirect_vreg.gather [hbm4b:s1+s3], $0x80, v4, vm0, $0xb8;
	[tilespmem:$0x10800] =	vst v63  }
0xe3: {  	v4 =	vld [tilespmem:s18+$0x30];
	_ =	sdelay $0x4  }
0xe4: {  	v5 =	vshll.u32 v4, $0x1  }
0xe5: {  	v4 =	vand.u32 $0x7, v4;
	v5 =	vand.u32 $0xFFFFFFF0, v5  }
0xe6: {  	v4 =	vor.u32 v4, v5  }
0xe7: {  	v5 =	vperm.xlane v4, v1;
	_ =	sdelay $0x1  }
0xe8: {  	v4 =	vperm.xlane v4, v3;
	v5 =	vadd.s32 v2, v5;
	_ =	sdelay $0x1  }
0xe9: {  	v4 =	vadd.s32 v2, v4;
	_ =	sdelay $0x2  }
0xea: {  	[tilespmem:s13], [sflag:$0x2] =	stream.indirect_vreg.gather [hbm4b:s1+s3], $0x80, v5, vm0, $0xb8;
	[tilespmem:$0x10800] =	vst v63  }
0xeb: {  	_ = 	snop  }
0xec: {  	[tilespmem:s14], [sflag:$0x2] =	stream.indirect_vreg.gather [hbm4b:s1+s3], $0x80, v4, vm0, $0xb8;
	[tilespmem:$0x10800] =	vst v63  }
0xed: {  	_ =	swait.ge [sflag:s15], $0x8000  }
0xee: {  	p0 =	seq.s32 s17, $0xE000;
	[sflag:s15] =	ssyncset.done $0x0  }
.Ltmp3:
0xef: {  	s19 =	sadd.s32 $0x1000, s19;
	[sflag:s15] =	ssyncadd.s32 $0xFFFF8000;
	(pc) =	sbr.rel @p0 .LBB2_6-.Ltmp3, $4  }
0xf0: {  	[hbm4b:s19+s3] =	stream.linear.scatter [tilespmem:s25], [sflag:$0x4], $0x8000, $0x38;
	[tilespmem:$0x10800] =	vst v63  }
0xf1: {  	_ =	swait.ge [sflag:s16], $0x8000  }
0xf2: {  	[sflag:s16] =	ssyncset.done $0x0  }
0xf3: {  	[sflag:s16] =	ssyncadd.s32 $0xFFFF8000  }
0xf4: {  	v4 =	vld [tilespmem:s18+$0x40];
	_ =	sdelay $0x4  }
0xf5: {  	v5 =	vshll.u32 v4, $0x1  }
0xf6: {  	v4 =	vand.u32 $0x7, v4;
	v5 =	vand.u32 $0xFFFFFFF0, v5  }
0xf7: {  	v4 =	vor.u32 v4, v5  }
0xf8: {  	v5 =	vperm.xlane v4, v1;
	_ =	sdelay $0x1  }
0xf9: {  	v4 =	vperm.xlane v4, v3;
	v5 =	vadd.s32 v2, v5;
	_ =	sdelay $0x1  }
0xfa: {  	v4 =	vadd.s32 v2, v4;
	_ =	sdelay $0x2  }
0xfb: {  	[tilespmem:s9], [sflag:$0x1] =	stream.indirect_vreg.gather [hbm4b:s1+s3], $0x80, v5, vm0, $0xb8;
	[tilespmem:$0x10800] =	vst v63  }
0xfc: {  	s19 =	simm.s32 $0x1000  }
0xfd: {  	[tilespmem:s19], [sflag:$0x1] =	stream.indirect_vreg.gather [hbm4b:s1+s3], $0x80, v4, vm0, $0xb8;
	[tilespmem:$0x10800] =	vst v63  }
0xfe: {  	v4 =	vld [tilespmem:s18+$0x50];
	_ =	sdelay $0x4  }
0xff: {  	v5 =	vshll.u32 v4, $0x1  }
0x100: {  	v4 =	vand.u32 $0x7, v4;
	v5 =	vand.u32 $0xFFFFFFF0, v5  }
0x101: {  	v4 =	vor.u32 v4, v5  }
0x102: {  	v5 =	vperm.xlane v4, v1;
	_ =	sdelay $0x1  }
0x103: {  	v4 =	vperm.xlane v4, v3;
	v5 =	vadd.s32 v2, v5;
	_ =	sdelay $0x1  }
0x104: {  	v4 =	vadd.s32 v2, v4;
	_ =	sdelay $0x1  }
0x105: {  	s20 =	simm.s32 $0x1800  }
0x106: {  	[tilespmem:s20], [sflag:$0x1] =	stream.indirect_vreg.gather [hbm4b:s1+s3], $0x80, v5, vm0, $0xb8;
	[tilespmem:$0x10800] =	vst v63  }
0x107: {  	s20 =	simm.s32 $0x2000  }
0x108: {  	[tilespmem:s20], [sflag:$0x1] =	stream.indirect_vreg.gather [hbm4b:s1+s3], $0x80, v4, vm0, $0xb8;
	[tilespmem:$0x10800] =	vst v63  }
0x109: {  	v4 =	vld [tilespmem:s18+$0x60];
	_ =	sdelay $0x4  }
0x10a: {  	v5 =	vshll.u32 v4, $0x1  }
0x10b: {  	v4 =	vand.u32 $0x7, v4;
	v5 =	vand.u32 $0xFFFFFFF0, v5  }
0x10c: {  	v4 =	vor.u32 v4, v5  }
0x10d: {  	v5 =	vperm.xlane v4, v1;
	_ =	sdelay $0x1  }
0x10e: {  	v4 =	vperm.xlane v4, v3;
	v5 =	vadd.s32 v2, v5;
	_ =	sdelay $0x1  }
0x10f: {  	v4 =	vadd.s32 v2, v4;
	_ =	sdelay $0x1  }
0x110: {  	s20 =	simm.s32 $0x2800  }
0x111: {  	[tilespmem:s20], [sflag:$0x1] =	stream.indirect_vreg.gather [hbm4b:s1+s3], $0x80, v5, vm0, $0xb8;
	[tilespmem:$0x10800] =	vst v63  }
0x112: {  	s20 =	simm.s32 $0x3000  }
0x113: {  	[tilespmem:s20], [sflag:$0x1] =	stream.indirect_vreg.gather [hbm4b:s1+s3], $0x80, v4, vm0, $0xb8;
	[tilespmem:$0x10800] =	vst v63  }
0x114: {  	v4 =	vld [tilespmem:s18+$0x70];
	_ =	sdelay $0x4  }
0x115: {  	v5 =	vshll.u32 v4, $0x1  }
0x116: {  	v4 =	vand.u32 $0x7, v4;
	v5 =	vand.u32 $0xFFFFFFF0, v5  }
0x117: {  	v4 =	vor.u32 v4, v5  }
0x118: {  	v5 =	vperm.xlane v4, v1;
	_ =	sdelay $0x1  }
0x119: {  	v4 =	vperm.xlane v4, v3;
	v5 =	vadd.s32 v2, v5;
	_ =	sdelay $0x1  }
0x11a: {  	v4 =	vadd.s32 v2, v4;
	_ =	sdelay $0x1  }
0x11b: {  	s20 =	simm.s32 $0x3800  }
0x11c: {  	[tilespmem:s20], [sflag:$0x1] =	stream.indirect_vreg.gather [hbm4b:s1+s3], $0x80, v5, vm0, $0xb8;
	[tilespmem:$0x10800] =	vst v63  }
0x11d: {  	s20 =	simm.s32 $0x4000  }
0x11e: {  	[tilespmem:s20], [sflag:$0x1] =	stream.indirect_vreg.gather [hbm4b:s1+s3], $0x80, v4, vm0, $0xb8;
	[tilespmem:$0x10800] =	vst v63  }
0x11f: {  	v4 =	vld [tilespmem:s18+$0x80];
	_ =	sdelay $0x4  }
0x120: {  	v5 =	vshll.u32 v4, $0x1  }
0x121: {  	v4 =	vand.u32 $0x7, v4;
	v5 =	vand.u32 $0xFFFFFFF0, v5  }
0x122: {  	v4 =	vor.u32 v4, v5  }
0x123: {  	v5 =	vperm.xlane v4, v1;
	_ =	sdelay $0x1  }
0x124: {  	v4 =	vperm.xlane v4, v3;
	v5 =	vadd.s32 v2, v5;
	_ =	sdelay $0x1  }
0x125: {  	v4 =	vadd.s32 v2, v4;
	_ =	sdelay $0x1  }
0x126: {  	s20 =	simm.s32 $0x4800  }
0x127: {  	[tilespmem:s20], [sflag:$0x1] =	stream.indirect_vreg.gather [hbm4b:s1+s3], $0x80, v5, vm0, $0xb8;
	[tilespmem:$0x10800] =	vst v63  }
0x128: {  	s20 =	simm.s32 $0x5000  }
0x129: {  	[tilespmem:s20], [sflag:$0x1] =	stream.indirect_vreg.gather [hbm4b:s1+s3], $0x80, v4, vm0, $0xb8;
	[tilespmem:$0x10800] =	vst v63  }
0x12a: {  	v4 =	vld [tilespmem:s18+$0x90];
	_ =	sdelay $0x4  }
0x12b: {  	v5 =	vshll.u32 v4, $0x1  }
0x12c: {  	v4 =	vand.u32 $0x7, v4;
	v5 =	vand.u32 $0xFFFFFFF0, v5  }
0x12d: {  	v4 =	vor.u32 v4, v5  }
0x12e: {  	v5 =	vperm.xlane v4, v1;
	_ =	sdelay $0x1  }
0x12f: {  	v4 =	vperm.xlane v4, v3;
	v5 =	vadd.s32 v2, v5;
	_ =	sdelay $0x1  }
0x130: {  	v4 =	vadd.s32 v2, v4;
	_ =	sdelay $0x1  }
0x131: {  	s20 =	simm.s32 $0x5800  }
0x132: {  	[tilespmem:s20], [sflag:$0x1] =	stream.indirect_vreg.gather [hbm4b:s1+s3], $0x80, v5, vm0, $0xb8;
	[tilespmem:$0x10800] =	vst v63  }
0x133: {  	s20 =	simm.s32 $0x6000  }
0x134: {  	[tilespmem:s20], [sflag:$0x1] =	stream.indirect_vreg.gather [hbm4b:s1+s3], $0x80, v4, vm0, $0xb8;
	[tilespmem:$0x10800] =	vst v63  }
0x135: {  	v4 =	vld [tilespmem:s18+$0xA0];
	_ =	sdelay $0x4  }
0x136: {  	v5 =	vshll.u32 v4, $0x1  }
0x137: {  	v4 =	vand.u32 $0x7, v4;
	v5 =	vand.u32 $0xFFFFFFF0, v5  }
0x138: {  	v4 =	vor.u32 v4, v5  }
0x139: {  	v5 =	vperm.xlane v4, v1;
	_ =	sdelay $0x1  }
0x13a: {  	v4 =	vperm.xlane v4, v3;
	v5 =	vadd.s32 v2, v5;
	_ =	sdelay $0x1  }
0x13b: {  	v4 =	vadd.s32 v2, v4;
	_ =	sdelay $0x2  }
0x13c: {  	[tilespmem:s21], [sflag:$0x1] =	stream.indirect_vreg.gather [hbm4b:s1+s3], $0x80, v5, vm0, $0xb8;
	[tilespmem:$0x10800] =	vst v63  }
0x13d: {  	_ = 	snop  }
0x13e: {  	[tilespmem:s22], [sflag:$0x1] =	stream.indirect_vreg.gather [hbm4b:s1+s3], $0x80, v4, vm0, $0xb8;
	[tilespmem:$0x10800] =	vst v63  }
0x13f: {  	v4 =	vld [tilespmem:s18+$0xB0];
	_ =	sdelay $0x4  }
0x140: {  	v5 =	vshll.u32 v4, $0x1  }
0x141: {  	v4 =	vand.u32 $0x7, v4;
	v5 =	vand.u32 $0xFFFFFFF0, v5  }
0x142: {  	v4 =	vor.u32 v4, v5  }
0x143: {  	v5 =	vperm.xlane v4, v1;
	_ =	sdelay $0x1  }
0x144: {  	v4 =	vperm.xlane v4, v3;
	v5 =	vadd.s32 v2, v5;
	_ =	sdelay $0x1  }
0x145: {  	v4 =	vadd.s32 v2, v4  }
.Ltmp4:
0x146: {  	_ = 	snop;
	(pc) =	sbr.rel .LBB2_4-.Ltmp4, $4  }
0x147: {  	_ = 	snop  }
0x148: {  	[tilespmem:s23], [sflag:$0x1] =	stream.indirect_vreg.gather [hbm4b:s1+s3], $0x80, v5, vm0, $0xb8;
	[tilespmem:$0x10800] =	vst v63  }
0x149: {  	s17 =	sadd.s32 $0x2000, s17;
	s18 =	sadd.s32 $0x100, s18  }
0x14a: {  	[tilespmem:s24], [sflag:$0x1] =	stream.indirect_vreg.gather [hbm4b:s1+s3], $0x80, v4, vm0, $0xb8;
	[tilespmem:$0x10800] =	vst v63  }
.LBB2_7:
0x14b: {  	_ =	sfence.sel $0x180000  }
0x14c: {  	[bflag:$0x0] =	sbarrier.arrive $0xFFFF  }
0x14d: {  	_ =	strace $0x90000047  }
0x14e: {  	s0 =	stileid.u32;
	[bflag:$0x2] =	sbarrier.arrive $0xFFFF  }
0x14f: {  	p0 =	sne.s32 s0, $0x0;
	s0 =	rddreg [dreg:$0x3]  }
0x150: {  	s0 =	sadd.s32 @!p0 $0x100000, s0  }
0x151: {  	[sflag:s0] =	ssyncadd.tile.s32 @!p0 $0x1;
	_ =	shalt  }
.Lfunc_end2:
_tile_overlayer_lowered:
.L_overlay_start_2:
0x152: {  	(tag) =	ssettag $0x2  }
0x153: {  	s0 =	rddreg [dreg:$0x0];
	s2 =	stileid.u32  }
0x154: {  	s1 =	rddreg [dreg:$0x1];
	p0 =	sne.s32 s2, $0x0  }
0x155: {  	s3 =	rddreg [dreg:$0x2];
	[bflag:$0x3] =	sbarrier.arrive $0xFFFF;
	s2 =	simm.s32 @!p0 $0x1C05  }
0x156: {  	[timem:s3], [sflag:s2] =	dma.local @!p0 [hbm:s0], s1  }
0x157: {  	s0 =	simm.s32 @!p0 $0x5  }
0x158: {  	_ =	swait.ge @!p0 [sflag:s0], s1  }
0x159: {  	s1 =	ssub.s32 @!p0 $0x0, s1;
	[sflag:s0] =	ssyncset.done @!p0 $0x0  }
0x15a: {  	[sflag:s0] =	ssyncadd.s32 @!p0 s1  }
0x15b: {  	[bflag:$0x3] =	sbarrier.arrive $0xFFFF  }
0x15c: {  	_ =	shalt  }

</sc_bundles>
